<compile_context>
chip_gen: v7x
topology: tpu7x:2x2x1
jax: 0.10.2.dev20260603
libtpu: 0.0.44.dev20260713+nightly
codegen_flags: <defaults>
</compile_context>

<pallas_src>
import functools

import jax
import jax.numpy as jnp
from jax import lax
from jax.experimental import pallas as pl
from jax.experimental.pallas import tpu as pltpu
from jax.experimental.pallas import tpu_sc as plsc

HIDDEN = 2048
N_EXPERTS = 16
TOP_K = 2
TILE = 1024

_SC_INFO = plsc.get_sparse_core_info()
_NC = _SC_INFO.num_cores
_NS = _SC_INFO.num_subcores
_L = _SC_INFO.num_lanes
_NW = _NC * _NS


def _tc_body(x_ref, w_ref, w_out_ref):
    lt = jax.lax.dot_general(
        w_ref[...], x_ref[...],
        dimension_numbers=(((1,), (1,)), ((), ())),
        preferred_element_type=jnp.float32,
    )
    m = jnp.max(lt, axis=0, keepdims=True)
    e = jnp.exp(lt - m)
    s = jnp.sum(e, axis=0, keepdims=True)
    w_out_ref[...] = e * (1.0 / s)


def _make_sc_route(n):
    chunk = n // _NW
    mesh = plsc.VectorSubcoreMesh(core_axis_name="c", subcore_axis_name="s")

    @functools.partial(
        pl.kernel, mesh=mesh,
        out_type=[
            jax.ShapeDtypeStruct((TOP_K, n), jnp.float32),
            jax.ShapeDtypeStruct((TOP_K, n), jnp.int32),
        ],
        scratch_types=[
            pltpu.VMEM((N_EXPERTS, chunk), jnp.float32),
            pltpu.VMEM((TOP_K, chunk), jnp.float32),
            pltpu.VMEM((TOP_K, chunk), jnp.int32),
            pltpu.SemaphoreType.DMA,
        ],
    )
    def sc_route(wt_hbm, twt_hbm, tet_hbm, wv, twv, tev, sem):
        wid = lax.axis_index("s") * _NC + lax.axis_index("c")
        base = wid * chunk
        pltpu.async_copy(wt_hbm.at[:, pl.ds(base, chunk)], wv, sem).wait()

        def body(g, carry):
            off = g * _L
            rows = [wv[e, pl.ds(off, _L)] for e in range(N_EXPERTS)]
            m1 = rows[0]
            i1 = jnp.zeros((_L,), jnp.int32)
            for e in range(1, N_EXPERTS):
                c = rows[e] > m1
                m1 = jnp.where(c, rows[e], m1)
                i1 = jnp.where(c, jnp.full((_L,), e, jnp.int32), i1)
            m2 = jnp.full((_L,), -jnp.inf, jnp.float32)
            i2 = jnp.zeros((_L,), jnp.int32)
            for e in range(N_EXPERTS):
                c = jnp.logical_and(i1 != e, rows[e] > m2)
                m2 = jnp.where(c, rows[e], m2)
                i2 = jnp.where(c, jnp.full((_L,), e, jnp.int32), i2)
            twv[0, pl.ds(off, _L)] = m1
            twv[1, pl.ds(off, _L)] = m2
            tev[0, pl.ds(off, _L)] = i1
            tev[1, pl.ds(off, _L)] = i2
            return carry

        jax.lax.fori_loop(0, chunk // _L, body, 0)
        pltpu.sync_copy(twv, twt_hbm.at[:, pl.ds(base, chunk)])
        pltpu.sync_copy(tev, tet_hbm.at[:, pl.ds(base, chunk)])

    return sc_route


def kernel(x, W):
    n = x.shape[0]
    grid = (n // TILE,)
    weights_t = pl.pallas_call(
        _tc_body,
        grid=grid,
        in_specs=[
            pl.BlockSpec((TILE, HIDDEN), lambda i: (i, 0)),
            pl.BlockSpec((N_EXPERTS, HIDDEN), lambda i: (0, 0)),
        ],
        out_specs=pl.BlockSpec((N_EXPERTS, TILE), lambda i: (0, i)),
        out_shape=jax.ShapeDtypeStruct((N_EXPERTS, n), jnp.float32),
        compiler_params=pltpu.CompilerParams(
            dimension_semantics=("parallel",),
        ),
    )(x, W)
    top_w_t, top_e_t = _make_sc_route(n)(weights_t)
    return (
        weights_t.T,
        top_w_t.T,
        top_e_t.T.astype(jnp.int64),
    )

# --- scband reference (transcript-rebuilt; emitter-appended) ---
"""Pipeline reference for scband-nomic-router-42829413875909 (READ-ONLY COPY).

The authoritative reference and input builder live on the scoring server;
editing this copy changes nothing except your own understanding.
"""

import jax, jax.numpy as jnp
import numpy as np

HIDDEN = 2048
N_EXPERTS = 16
TOP_K = 2
N_TOKENS = 16384


def setup_inputs(seed: int = 0) -> dict:
    key = jax.random.key(seed)
    kx, kw = jax.random.split(key)
    x = jax.random.normal(kx, (N_TOKENS, HIDDEN), dtype=jnp.float32)
    # router linear weight, torch Linear layout [out_features, in_features]
    W = jax.random.normal(kw, (N_EXPERTS, HIDDEN), dtype=jnp.float32) * (1.0 / np.sqrt(HIDDEN))
    return {"x": x, "W": W}


def reference(x, W):
    # x.view(-1, hidden) @ W.T -> logits [N, E]
    x2 = x.reshape(-1, x.shape[-1])
    logits = x2 @ W.T
    # softmax in float32 (x already float32 here, but keep explicit cast for fidelity)
    weights = jax.nn.softmax(logits.astype(jnp.float32), axis=-1)
    top_weights, top_experts = jax.lax.top_k(weights, TOP_K)
    weights = weights.astype(x.dtype)
    top_weights = top_weights.astype(x.dtype)
    return (weights, top_weights, top_experts.astype(jnp.int64))

if __name__ == "__main__":
    import jax
    _d = setup_inputs()
    print(jax.jit(kernel)(*tuple(_d.values())))

</pallas_src>

<mosaic_0001>
#map = affine_map<(d0, d1) -> (0, 0)>
module attributes {stable_mosaic.version = 14 : i64} {
  func.func @sc_route(%arg0: i32, %arg1: i32, %arg2: memref<16x16384xf32, #tpu.memory_space<hbm>>, %arg3: memref<2x16384xf32, #tpu.memory_space<hbm>>, %arg4: memref<2x16384xi32, #tpu.memory_space<hbm>>, %arg5: memref<16x512xf32, #tpu.memory_space<vmem>>, %arg6: memref<2x512xf32, #tpu.memory_space<vmem>>, %arg7: memref<2x512xi32, #tpu.memory_space<vmem>>, %arg8: memref<!tpu.dma_semaphore, #tpu.memory_space<semaphore_mem>>) attributes {dimension_semantics = [#tpu.dimension_semantics<core_parallel>, #tpu.dimension_semantics<subcore_parallel>], iteration_bounds = array<i64: 2, 16>, scalar_prefetch = 0 : i64, scratch_operands = 4 : i64, tpu.core_type = #tpu.core_type<sc_vector_subcore>, window_params = [{transform_indices = #map}, {transform_indices = #map}, {transform_indices = #map}]} {
    %mul3A = arith.constant 2 : i32
    %mul3A_0 = arith.muli %arg1, %mul3A : i32
    %add3A = arith.addi %mul3A_0, %arg0 : i32
    %mul3A_1 = arith.constant 512 : i32
    %mul3A_2 = arith.muli %add3A, %mul3A_1 : i32
    %dma_start3A = arith.constant 0 : i32
    %dma_start3A_3 = tpu.memref_slice %arg2[%dma_start3A, %mul3A_2] : memref<16x16384xf32, #tpu.memory_space<hbm>> -> memref<16x512xf32, #tpu.memory_space<hbm>>
    %dma_start3A_4 = arith.constant 0 : i32
    %dma_start3A_5 = tpu.memref_slice %arg2[%dma_start3A_4, %mul3A_2] : memref<16x16384xf32, #tpu.memory_space<hbm>> -> memref<16x512xf32, #tpu.memory_space<hbm>>
    tpu.enqueue_dma source(%dma_start3A_5 : memref<16x512xf32, #tpu.memory_space<hbm>>) target(%arg5 : memref<16x512xf32, #tpu.memory_space<vmem>>) target_semaphore(%arg8 : memref<!tpu.dma_semaphore, #tpu.memory_space<semaphore_mem>>)
    %dma_wait3A = arith.constant 0 : i32
    %dma_wait3A_6 = tpu.memref_slice %arg2[%dma_wait3A, %mul3A_2] : memref<16x16384xf32, #tpu.memory_space<hbm>> -> memref<16x512xf32, #tpu.memory_space<hbm>>
    %dma_wait3A_7 = arith.constant 0 : i32
    %dma_wait3A_8 = tpu.memref_slice %arg2[%dma_wait3A_7, %mul3A_2] : memref<16x16384xf32, #tpu.memory_space<hbm>> -> memref<16x512xf32, #tpu.memory_space<hbm>>
    tpu.wait_dma2 semaphore(%arg8 : memref<!tpu.dma_semaphore, #tpu.memory_space<semaphore_mem>>) src(%dma_wait3A_8 : memref<16x512xf32, #tpu.memory_space<hbm>>) dst(%arg5 : memref<16x512xf32, #tpu.memory_space<vmem>>)
    %scan3A = arith.constant 0 : i32
    %scan3A_9 = arith.constant 0 : i32
    %scan3A_10 = arith.constant 32 : i32
    %scan3A_11 = arith.addi %scan3A_9, %scan3A_10 : i32
    %scan3A_12 = arith.constant 1 : i32
    scf.for %scan3A_14 = %scan3A_9 to %scan3A_11 step %scan3A_12  : i32 {
      %mul3A_15 = arith.constant 16 : i32
      %mul3A_16 = arith.muli %scan3A_14, %mul3A_15 : i32
      %get3A = arith.constant 0 : i32
      %get3A_17 = arith.index_cast %get3A : i32 to index
      %get3A_18 = arith.index_cast %mul3A_16 : i32 to index
      %get3A_19 = tpu.vector_load %arg5[%get3A_17, %get3A_18] {strides = array<i32>} : memref<16x512xf32, #tpu.memory_space<vmem>>, vector<1x16xf32>,
      %get3A_20 = vector.shape_cast %get3A_19 : vector<1x16xf32> to vector<16xf32>
      %get3A_21 = arith.constant 1 : i32
      %get3A_22 = arith.index_cast %get3A_21 : i32 to index
      %get3A_23 = arith.index_cast %mul3A_16 : i32 to index
      %get3A_24 = tpu.vector_load %arg5[%get3A_22, %get3A_23] {strides = array<i32>} : memref<16x512xf32, #tpu.memory_space<vmem>>, vector<1x16xf32>,
      %get3A_25 = vector.shape_cast %get3A_24 : vector<1x16xf32> to vector<16xf32>
      %get3A_26 = arith.constant 2 : i32
      %get3A_27 = arith.index_cast %get3A_26 : i32 to index
      %get3A_28 = arith.index_cast %mul3A_16 : i32 to index
      %get3A_29 = tpu.vector_load %arg5[%get3A_27, %get3A_28] {strides = array<i32>} : memref<16x512xf32, #tpu.memory_space<vmem>>, vector<1x16xf32>,
      %get3A_30 = vector.shape_cast %get3A_29 : vector<1x16xf32> to vector<16xf32>
      %get3A_31 = arith.constant 3 : i32
      %get3A_32 = arith.index_cast %get3A_31 : i32 to index
      %get3A_33 = arith.index_cast %mul3A_16 : i32 to index
      %get3A_34 = tpu.vector_load %arg5[%get3A_32, %get3A_33] {strides = array<i32>} : memref<16x512xf32, #tpu.memory_space<vmem>>, vector<1x16xf32>,
      %get3A_35 = vector.shape_cast %get3A_34 : vector<1x16xf32> to vector<16xf32>
      %get3A_36 = arith.constant 4 : i32
      %get3A_37 = arith.index_cast %get3A_36 : i32 to index
      %get3A_38 = arith.index_cast %mul3A_16 : i32 to index
      %get3A_39 = tpu.vector_load %arg5[%get3A_37, %get3A_38] {strides = array<i32>} : memref<16x512xf32, #tpu.memory_space<vmem>>, vector<1x16xf32>,
      %get3A_40 = vector.shape_cast %get3A_39 : vector<1x16xf32> to vector<16xf32>
      %get3A_41 = arith.constant 5 : i32
      %get3A_42 = arith.index_cast %get3A_41 : i32 to index
      %get3A_43 = arith.index_cast %mul3A_16 : i32 to index
      %get3A_44 = tpu.vector_load %arg5[%get3A_42, %get3A_43] {strides = array<i32>} : memref<16x512xf32, #tpu.memory_space<vmem>>, vector<1x16xf32>,
      %get3A_45 = vector.shape_cast %get3A_44 : vector<1x16xf32> to vector<16xf32>
      %get3A_46 = arith.constant 6 : i32
      %get3A_47 = arith.index_cast %get3A_46 : i32 to index
      %get3A_48 = arith.index_cast %mul3A_16 : i32 to index
      %get3A_49 = tpu.vector_load %arg5[%get3A_47, %get3A_48] {strides = array<i32>} : memref<16x512xf32, #tpu.memory_space<vmem>>, vector<1x16xf32>,
      %get3A_50 = vector.shape_cast %get3A_49 : vector<1x16xf32> to vector<16xf32>
      %get3A_51 = arith.constant 7 : i32
      %get3A_52 = arith.index_cast %get3A_51 : i32 to index
      %get3A_53 = arith.index_cast %mul3A_16 : i32 to index
      %get3A_54 = tpu.vector_load %arg5[%get3A_52, %get3A_53] {strides = array<i32>} : memref<16x512xf32, #tpu.memory_space<vmem>>, vector<1x16xf32>,
      %get3A_55 = vector.shape_cast %get3A_54 : vector<1x16xf32> to vector<16xf32>
      %get3A_56 = arith.constant 8 : i32
      %get3A_57 = arith.index_cast %get3A_56 : i32 to index
      %get3A_58 = arith.index_cast %mul3A_16 : i32 to index
      %get3A_59 = tpu.vector_load %arg5[%get3A_57, %get3A_58] {strides = array<i32>} : memref<16x512xf32, #tpu.memory_space<vmem>>, vector<1x16xf32>,
      %get3A_60 = vector.shape_cast %get3A_59 : vector<1x16xf32> to vector<16xf32>
      %get3A_61 = arith.constant 9 : i32
      %get3A_62 = arith.index_cast %get3A_61 : i32 to index
      %get3A_63 = arith.index_cast %mul3A_16 : i32 to index
      %get3A_64 = tpu.vector_load %arg5[%get3A_62, %get3A_63] {strides = array<i32>} : memref<16x512xf32, #tpu.memory_space<vmem>>, vector<1x16xf32>,
      %get3A_65 = vector.shape_cast %get3A_64 : vector<1x16xf32> to vector<16xf32>
      %get3A_66 = arith.constant 10 : i32
      %get3A_67 = arith.index_cast %get3A_66 : i32 to index
      %get3A_68 = arith.index_cast %mul3A_16 : i32 to index
      %get3A_69 = tpu.vector_load %arg5[%get3A_67, %get3A_68] {strides = array<i32>} : memref<16x512xf32, #tpu.memory_space<vmem>>, vector<1x16xf32>,
      %get3A_70 = vector.shape_cast %get3A_69 : vector<1x16xf32> to vector<16xf32>
      %get3A_71 = arith.constant 11 : i32
      %get3A_72 = arith.index_cast %get3A_71 : i32 to index
      %get3A_73 = arith.index_cast %mul3A_16 : i32 to index
      %get3A_74 = tpu.vector_load %arg5[%get3A_72, %get3A_73] {strides = array<i32>} : memref<16x512xf32, #tpu.memory_space<vmem>>, vector<1x16xf32>,
      %get3A_75 = vector.shape_cast %get3A_74 : vector<1x16xf32> to vector<16xf32>
      %get3A_76 = arith.constant 12 : i32
      %get3A_77 = arith.index_cast %get3A_76 : i32 to index
      %get3A_78 = arith.index_cast %mul3A_16 : i32 to index
      %get3A_79 = tpu.vector_load %arg5[%get3A_77, %get3A_78] {strides = array<i32>} : memref<16x512xf32, #tpu.memory_space<vmem>>, vector<1x16xf32>,
      %get3A_80 = vector.shape_cast %get3A_79 : vector<1x16xf32> to vector<16xf32>
      %get3A_81 = arith.constant 13 : i32
      %get3A_82 = arith.index_cast %get3A_81 : i32 to index
      %get3A_83 = arith.index_cast %mul3A_16 : i32 to index
      %get3A_84 = tpu.vector_load %arg5[%get3A_82, %get3A_83] {strides = array<i32>} : memref<16x512xf32, #tpu.memory_space<vmem>>, vector<1x16xf32>,
      %get3A_85 = vector.shape_cast %get3A_84 : vector<1x16xf32> to vector<16xf32>
      %get3A_86 = arith.constant 14 : i32
      %get3A_87 = arith.index_cast %get3A_86 : i32 to index
      %get3A_88 = arith.index_cast %mul3A_16 : i32 to index
      %get3A_89 = tpu.vector_load %arg5[%get3A_87, %get3A_88] {strides = array<i32>} : memref<16x512xf32, #tpu.memory_space<vmem>>, vector<1x16xf32>,
      %get3A_90 = vector.shape_cast %get3A_89 : vector<1x16xf32> to vector<16xf32>
      %get3A_91 = arith.constant 15 : i32
      %get3A_92 = arith.index_cast %get3A_91 : i32 to index
      %get3A_93 = arith.index_cast %mul3A_16 : i32 to index
      %get3A_94 = tpu.vector_load %arg5[%get3A_92, %get3A_93] {strides = array<i32>} : memref<16x512xf32, #tpu.memory_space<vmem>>, vector<1x16xf32>,
      %get3A_95 = vector.shape_cast %get3A_94 : vector<1x16xf32> to vector<16xf32>
      %broadcast_in_dim3A = arith.constant 0 : i32
      %broadcast_in_dim3A_96 = vector.broadcast %broadcast_in_dim3A : i32 to vector<16xi32>
      %gt3A = arith.cmpf ogt, %get3A_25, %get3A_20 : vector<16xf32>
      %select_n3A = arith.select %gt3A, %get3A_25, %get3A_20 : vector<16xi1>, vector<16xf32>
      %broadcast_in_dim3A_97 = arith.constant 1 : i32
      %broadcast_in_dim3A_98 = vector.broadcast %broadcast_in_dim3A_97 : i32 to vector<16xi32>
      %select_n3A_99 = arith.select %gt3A, %broadcast_in_dim3A_98, %broadcast_in_dim3A_96 : vector<16xi1>, vector<16xi32>
      %gt3A_100 = arith.cmpf ogt, %get3A_30, %select_n3A : vector<16xf32>
      %select_n3A_101 = arith.select %gt3A_100, %get3A_30, %select_n3A : vector<16xi1>, vector<16xf32>
      %broadcast_in_dim3A_102 = arith.constant 2 : i32
      %broadcast_in_dim3A_103 = vector.broadcast %broadcast_in_dim3A_102 : i32 to vector<16xi32>
      %select_n3A_104 = arith.select %gt3A_100, %broadcast_in_dim3A_103, %select_n3A_99 : vector<16xi1>, vector<16xi32>
      %gt3A_105 = arith.cmpf ogt, %get3A_35, %select_n3A_101 : vector<16xf32>
      %select_n3A_106 = arith.select %gt3A_105, %get3A_35, %select_n3A_101 : vector<16xi1>, vector<16xf32>
      %broadcast_in_dim3A_107 = arith.constant 3 : i32
      %broadcast_in_dim3A_108 = vector.broadcast %broadcast_in_dim3A_107 : i32 to vector<16xi32>
      %select_n3A_109 = arith.select %gt3A_105, %broadcast_in_dim3A_108, %select_n3A_104 : vector<16xi1>, vector<16xi32>
      %gt3A_110 = arith.cmpf ogt, %get3A_40, %select_n3A_106 : vector<16xf32>
      %select_n3A_111 = arith.select %gt3A_110, %get3A_40, %select_n3A_106 : vector<16xi1>, vector<16xf32>
      %broadcast_in_dim3A_112 = arith.constant 4 : i32
      %broadcast_in_dim3A_113 = vector.broadcast %broadcast_in_dim3A_112 : i32 to vector<16xi32>
      %select_n3A_114 = arith.select %gt3A_110, %broadcast_in_dim3A_113, %select_n3A_109 : vector<16xi1>, vector<16xi32>
      %gt3A_115 = arith.cmpf ogt, %get3A_45, %select_n3A_111 : vector<16xf32>
      %select_n3A_116 = arith.select %gt3A_115, %get3A_45, %select_n3A_111 : vector<16xi1>, vector<16xf32>
      %broadcast_in_dim3A_117 = arith.constant 5 : i32
      %broadcast_in_dim3A_118 = vector.broadcast %broadcast_in_dim3A_117 : i32 to vector<16xi32>
      %select_n3A_119 = arith.select %gt3A_115, %broadcast_in_dim3A_118, %select_n3A_114 : vector<16xi1>, vector<16xi32>
      %gt3A_120 = arith.cmpf ogt, %get3A_50, %select_n3A_116 : vector<16xf32>
      %select_n3A_121 = arith.select %gt3A_120, %get3A_50, %select_n3A_116 : vector<16xi1>, vector<16xf32>
      %broadcast_in_dim3A_122 = arith.constant 6 : i32
      %broadcast_in_dim3A_123 = vector.broadcast %broadcast_in_dim3A_122 : i32 to vector<16xi32>
      %select_n3A_124 = arith.select %gt3A_120, %broadcast_in_dim3A_123, %select_n3A_119 : vector<16xi1>, vector<16xi32>
      %gt3A_125 = arith.cmpf ogt, %get3A_55, %select_n3A_121 : vector<16xf32>
      %select_n3A_126 = arith.select %gt3A_125, %get3A_55, %select_n3A_121 : vector<16xi1>, vector<16xf32>
      %broadcast_in_dim3A_127 = arith.constant 7 : i32
      %broadcast_in_dim3A_128 = vector.broadcast %broadcast_in_dim3A_127 : i32 to vector<16xi32>
      %select_n3A_129 = arith.select %gt3A_125, %broadcast_in_dim3A_128, %select_n3A_124 : vector<16xi1>, vector<16xi32>
      %gt3A_130 = arith.cmpf ogt, %get3A_60, %select_n3A_126 : vector<16xf32>
      %select_n3A_131 = arith.select %gt3A_130, %get3A_60, %select_n3A_126 : vector<16xi1>, vector<16xf32>
      %broadcast_in_dim3A_132 = arith.constant 8 : i32
      %broadcast_in_dim3A_133 = vector.broadcast %broadcast_in_dim3A_132 : i32 to vector<16xi32>
      %select_n3A_134 = arith.select %gt3A_130, %broadcast_in_dim3A_133, %select_n3A_129 : vector<16xi1>, vector<16xi32>
      %gt3A_135 = arith.cmpf ogt, %get3A_65, %select_n3A_131 : vector<16xf32>
      %select_n3A_136 = arith.select %gt3A_135, %get3A_65, %select_n3A_131 : vector<16xi1>, vector<16xf32>
      %broadcast_in_dim3A_137 = arith.constant 9 : i32
      %broadcast_in_dim3A_138 = vector.broadcast %broadcast_in_dim3A_137 : i32 to vector<16xi32>
      %select_n3A_139 = arith.select %gt3A_135, %broadcast_in_dim3A_138, %select_n3A_134 : vector<16xi1>, vector<16xi32>
      %gt3A_140 = arith.cmpf ogt, %get3A_70, %select_n3A_136 : vector<16xf32>
      %select_n3A_141 = arith.select %gt3A_140, %get3A_70, %select_n3A_136 : vector<16xi1>, vector<16xf32>
      %broadcast_in_dim3A_142 = arith.constant 10 : i32
      %broadcast_in_dim3A_143 = vector.broadcast %broadcast_in_dim3A_142 : i32 to vector<16xi32>
      %select_n3A_144 = arith.select %gt3A_140, %broadcast_in_dim3A_143, %select_n3A_139 : vector<16xi1>, vector<16xi32>
      %gt3A_145 = arith.cmpf ogt, %get3A_75, %select_n3A_141 : vector<16xf32>
      %select_n3A_146 = arith.select %gt3A_145, %get3A_75, %select_n3A_141 : vector<16xi1>, vector<16xf32>
      %broadcast_in_dim3A_147 = arith.constant 11 : i32
      %broadcast_in_dim3A_148 = vector.broadcast %broadcast_in_dim3A_147 : i32 to vector<16xi32>
      %select_n3A_149 = arith.select %gt3A_145, %broadcast_in_dim3A_148, %select_n3A_144 : vector<16xi1>, vector<16xi32>
      %gt3A_150 = arith.cmpf ogt, %get3A_80, %select_n3A_146 : vector<16xf32>
      %select_n3A_151 = arith.select %gt3A_150, %get3A_80, %select_n3A_146 : vector<16xi1>, vector<16xf32>
      %broadcast_in_dim3A_152 = arith.constant 12 : i32
      %broadcast_in_dim3A_153 = vector.broadcast %broadcast_in_dim3A_152 : i32 to vector<16xi32>
      %select_n3A_154 = arith.select %gt3A_150, %broadcast_in_dim3A_153, %select_n3A_149 : vector<16xi1>, vector<16xi32>
      %gt3A_155 = arith.cmpf ogt, %get3A_85, %select_n3A_151 : vector<16xf32>
      %select_n3A_156 = arith.select %gt3A_155, %get3A_85, %select_n3A_151 : vector<16xi1>, vector<16xf32>
      %broadcast_in_dim3A_157 = arith.constant 13 : i32
      %broadcast_in_dim3A_158 = vector.broadcast %broadcast_in_dim3A_157 : i32 to vector<16xi32>
      %select_n3A_159 = arith.select %gt3A_155, %broadcast_in_dim3A_158, %select_n3A_154 : vector<16xi1>, vector<16xi32>
      %gt3A_160 = arith.cmpf ogt, %get3A_90, %select_n3A_156 : vector<16xf32>
      %select_n3A_161 = arith.select %gt3A_160, %get3A_90, %select_n3A_156 : vector<16xi1>, vector<16xf32>
      %broadcast_in_dim3A_162 = arith.constant 14 : i32
      %broadcast_in_dim3A_163 = vector.broadcast %broadcast_in_dim3A_162 : i32 to vector<16xi32>
      %select_n3A_164 = arith.select %gt3A_160, %broadcast_in_dim3A_163, %select_n3A_159 : vector<16xi1>, vector<16xi32>
      %gt3A_165 = arith.cmpf ogt, %get3A_95, %select_n3A_161 : vector<16xf32>
      %select_n3A_166 = arith.select %gt3A_165, %get3A_95, %select_n3A_161 : vector<16xi1>, vector<16xf32>
      %broadcast_in_dim3A_167 = arith.constant 15 : i32
      %broadcast_in_dim3A_168 = vector.broadcast %broadcast_in_dim3A_167 : i32 to vector<16xi32>
      %select_n3A_169 = arith.select %gt3A_165, %broadcast_in_dim3A_168, %select_n3A_164 : vector<16xi1>, vector<16xi32>
      %broadcast_in_dim3A_170 = arith.constant 0xFF800000 : f32
      %broadcast_in_dim3A_171 = vector.broadcast %broadcast_in_dim3A_170 : f32 to vector<16xf32>
      %broadcast_in_dim3A_172 = arith.constant 0 : i32
      %broadcast_in_dim3A_173 = vector.broadcast %broadcast_in_dim3A_172 : i32 to vector<16xi32>
      %ne3A = arith.constant 0 : i32
      %ne3A_174 = vector.broadcast %ne3A : i32 to vector<16xi32>
      %ne3A_175 = arith.cmpi ne, %select_n3A_169, %ne3A_174 : vector<16xi32>
      %gt3A_176 = arith.cmpf ogt, %get3A_20, %broadcast_in_dim3A_171 : vector<16xf32>
      %and3A = arith.andi %ne3A_175, %gt3A_176 : vector<16xi1>
      %select_n3A_177 = arith.select %and3A, %get3A_20, %broadcast_in_dim3A_171 : vector<16xi1>, vector<16xf32>
      %broadcast_in_dim3A_178 = arith.constant 0 : i32
      %broadcast_in_dim3A_179 = vector.broadcast %broadcast_in_dim3A_178 : i32 to vector<16xi32>
      %select_n3A_180 = arith.select %and3A, %broadcast_in_dim3A_179, %broadcast_in_dim3A_173 : vector<16xi1>, vector<16xi32>
      %ne3A_181 = arith.constant 1 : i32
      %ne3A_182 = vector.broadcast %ne3A_181 : i32 to vector<16xi32>
      %ne3A_183 = arith.cmpi ne, %select_n3A_169, %ne3A_182 : vector<16xi32>
      %gt3A_184 = arith.cmpf ogt, %get3A_25, %select_n3A_177 : vector<16xf32>
      %and3A_185 = arith.andi %ne3A_183, %gt3A_184 : vector<16xi1>
      %select_n3A_186 = arith.select %and3A_185, %get3A_25, %select_n3A_177 : vector<16xi1>, vector<16xf32>
      %broadcast_in_dim3A_187 = arith.constant 1 : i32
      %broadcast_in_dim3A_188 = vector.broadcast %broadcast_in_dim3A_187 : i32 to vector<16xi32>
      %select_n3A_189 = arith.select %and3A_185, %broadcast_in_dim3A_188, %select_n3A_180 : vector<16xi1>, vector<16xi32>
      %ne3A_190 = arith.constant 2 : i32
      %ne3A_191 = vector.broadcast %ne3A_190 : i32 to vector<16xi32>
      %ne3A_192 = arith.cmpi ne, %select_n3A_169, %ne3A_191 : vector<16xi32>
      %gt3A_193 = arith.cmpf ogt, %get3A_30, %select_n3A_186 : vector<16xf32>
      %and3A_194 = arith.andi %ne3A_192, %gt3A_193 : vector<16xi1>
      %select_n3A_195 = arith.select %and3A_194, %get3A_30, %select_n3A_186 : vector<16xi1>, vector<16xf32>
      %broadcast_in_dim3A_196 = arith.constant 2 : i32
      %broadcast_in_dim3A_197 = vector.broadcast %broadcast_in_dim3A_196 : i32 to vector<16xi32>
      %select_n3A_198 = arith.select %and3A_194, %broadcast_in_dim3A_197, %select_n3A_189 : vector<16xi1>, vector<16xi32>
      %ne3A_199 = arith.constant 3 : i32
      %ne3A_200 = vector.broadcast %ne3A_199 : i32 to vector<16xi32>
      %ne3A_201 = arith.cmpi ne, %select_n3A_169, %ne3A_200 : vector<16xi32>
      %gt3A_202 = arith.cmpf ogt, %get3A_35, %select_n3A_195 : vector<16xf32>
      %and3A_203 = arith.andi %ne3A_201, %gt3A_202 : vector<16xi1>
      %select_n3A_204 = arith.select %and3A_203, %get3A_35, %select_n3A_195 : vector<16xi1>, vector<16xf32>
      %broadcast_in_dim3A_205 = arith.constant 3 : i32
      %broadcast_in_dim3A_206 = vector.broadcast %broadcast_in_dim3A_205 : i32 to vector<16xi32>
      %select_n3A_207 = arith.select %and3A_203, %broadcast_in_dim3A_206, %select_n3A_198 : vector<16xi1>, vector<16xi32>
      %ne3A_208 = arith.constant 4 : i32
      %ne3A_209 = vector.broadcast %ne3A_208 : i32 to vector<16xi32>
      %ne3A_210 = arith.cmpi ne, %select_n3A_169, %ne3A_209 : vector<16xi32>
      %gt3A_211 = arith.cmpf ogt, %get3A_40, %select_n3A_204 : vector<16xf32>
      %and3A_212 = arith.andi %ne3A_210, %gt3A_211 : vector<16xi1>
      %select_n3A_213 = arith.select %and3A_212, %get3A_40, %select_n3A_204 : vector<16xi1>, vector<16xf32>
      %broadcast_in_dim3A_214 = arith.constant 4 : i32
      %broadcast_in_dim3A_215 = vector.broadcast %broadcast_in_dim3A_214 : i32 to vector<16xi32>
      %select_n3A_216 = arith.select %and3A_212, %broadcast_in_dim3A_215, %select_n3A_207 : vector<16xi1>, vector<16xi32>
      %ne3A_217 = arith.constant 5 : i32
      %ne3A_218 = vector.broadcast %ne3A_217 : i32 to vector<16xi32>
      %ne3A_219 = arith.cmpi ne, %select_n3A_169, %ne3A_218 : vector<16xi32>
      %gt3A_220 = arith.cmpf ogt, %get3A_45, %select_n3A_213 : vector<16xf32>
      %and3A_221 = arith.andi %ne3A_219, %gt3A_220 : vector<16xi1>
      %select_n3A_222 = arith.select %and3A_221, %get3A_45, %select_n3A_213 : vector<16xi1>, vector<16xf32>
      %broadcast_in_dim3A_223 = arith.constant 5 : i32
      %broadcast_in_dim3A_224 = vector.broadcast %broadcast_in_dim3A_223 : i32 to vector<16xi32>
      %select_n3A_225 = arith.select %and3A_221, %broadcast_in_dim3A_224, %select_n3A_216 : vector<16xi1>, vector<16xi32>
      %ne3A_226 = arith.constant 6 : i32
      %ne3A_227 = vector.broadcast %ne3A_226 : i32 to vector<16xi32>
      %ne3A_228 = arith.cmpi ne, %select_n3A_169, %ne3A_227 : vector<16xi32>
      %gt3A_229 = arith.cmpf ogt, %get3A_50, %select_n3A_222 : vector<16xf32>
      %and3A_230 = arith.andi %ne3A_228, %gt3A_229 : vector<16xi1>
      %select_n3A_231 = arith.select %and3A_230, %get3A_50, %select_n3A_222 : vector<16xi1>, vector<16xf32>
      %broadcast_in_dim3A_232 = arith.constant 6 : i32
      %broadcast_in_dim3A_233 = vector.broadcast %broadcast_in_dim3A_232 : i32 to vector<16xi32>
      %select_n3A_234 = arith.select %and3A_230, %broadcast_in_dim3A_233, %select_n3A_225 : vector<16xi1>, vector<16xi32>
      %ne3A_235 = arith.constant 7 : i32
      %ne3A_236 = vector.broadcast %ne3A_235 : i32 to vector<16xi32>
      %ne3A_237 = arith.cmpi ne, %select_n3A_169, %ne3A_236 : vector<16xi32>
      %gt3A_238 = arith.cmpf ogt, %get3A_55, %select_n3A_231 : vector<16xf32>
      %and3A_239 = arith.andi %ne3A_237, %gt3A_238 : vector<16xi1>
      %select_n3A_240 = arith.select %and3A_239, %get3A_55, %select_n3A_231 : vector<16xi1>, vector<16xf32>
      %broadcast_in_dim3A_241 = arith.constant 7 : i32
      %broadcast_in_dim3A_242 = vector.broadcast %broadcast_in_dim3A_241 : i32 to vector<16xi32>
      %select_n3A_243 = arith.select %and3A_239, %broadcast_in_dim3A_242, %select_n3A_234 : vector<16xi1>, vector<16xi32>
      %ne3A_244 = arith.constant 8 : i32
      %ne3A_245 = vector.broadcast %ne3A_244 : i32 to vector<16xi32>
      %ne3A_246 = arith.cmpi ne, %select_n3A_169, %ne3A_245 : vector<16xi32>
      %gt3A_247 = arith.cmpf ogt, %get3A_60, %select_n3A_240 : vector<16xf32>
      %and3A_248 = arith.andi %ne3A_246, %gt3A_247 : vector<16xi1>
      %select_n3A_249 = arith.select %and3A_248, %get3A_60, %select_n3A_240 : vector<16xi1>, vector<16xf32>
      %broadcast_in_dim3A_250 = arith.constant 8 : i32
      %broadcast_in_dim3A_251 = vector.broadcast %broadcast_in_dim3A_250 : i32 to vector<16xi32>
      %select_n3A_252 = arith.select %and3A_248, %broadcast_in_dim3A_251, %select_n3A_243 : vector<16xi1>, vector<16xi32>
      %ne3A_253 = arith.constant 9 : i32
      %ne3A_254 = vector.broadcast %ne3A_253 : i32 to vector<16xi32>
      %ne3A_255 = arith.cmpi ne, %select_n3A_169, %ne3A_254 : vector<16xi32>
      %gt3A_256 = arith.cmpf ogt, %get3A_65, %select_n3A_249 : vector<16xf32>
      %and3A_257 = arith.andi %ne3A_255, %gt3A_256 : vector<16xi1>
      %select_n3A_258 = arith.select %and3A_257, %get3A_65, %select_n3A_249 : vector<16xi1>, vector<16xf32>
      %broadcast_in_dim3A_259 = arith.constant 9 : i32
      %broadcast_in_dim3A_260 = vector.broadcast %broadcast_in_dim3A_259 : i32 to vector<16xi32>
      %select_n3A_261 = arith.select %and3A_257, %broadcast_in_dim3A_260, %select_n3A_252 : vector<16xi1>, vector<16xi32>
      %ne3A_262 = arith.constant 10 : i32
      %ne3A_263 = vector.broadcast %ne3A_262 : i32 to vector<16xi32>
      %ne3A_264 = arith.cmpi ne, %select_n3A_169, %ne3A_263 : vector<16xi32>
      %gt3A_265 = arith.cmpf ogt, %get3A_70, %select_n3A_258 : vector<16xf32>
      %and3A_266 = arith.andi %ne3A_264, %gt3A_265 : vector<16xi1>
      %select_n3A_267 = arith.select %and3A_266, %get3A_70, %select_n3A_258 : vector<16xi1>, vector<16xf32>
      %broadcast_in_dim3A_268 = arith.constant 10 : i32
      %broadcast_in_dim3A_269 = vector.broadcast %broadcast_in_dim3A_268 : i32 to vector<16xi32>
      %select_n3A_270 = arith.select %and3A_266, %broadcast_in_dim3A_269, %select_n3A_261 : vector<16xi1>, vector<16xi32>
      %ne3A_271 = arith.constant 11 : i32
      %ne3A_272 = vector.broadcast %ne3A_271 : i32 to vector<16xi32>
      %ne3A_273 = arith.cmpi ne, %select_n3A_169, %ne3A_272 : vector<16xi32>
      %gt3A_274 = arith.cmpf ogt, %get3A_75, %select_n3A_267 : vector<16xf32>
      %and3A_275 = arith.andi %ne3A_273, %gt3A_274 : vector<16xi1>
      %select_n3A_276 = arith.select %and3A_275, %get3A_75, %select_n3A_267 : vector<16xi1>, vector<16xf32>
      %broadcast_in_dim3A_277 = arith.constant 11 : i32
      %broadcast_in_dim3A_278 = vector.broadcast %broadcast_in_dim3A_277 : i32 to vector<16xi32>
      %select_n3A_279 = arith.select %and3A_275, %broadcast_in_dim3A_278, %select_n3A_270 : vector<16xi1>, vector<16xi32>
      %ne3A_280 = arith.constant 12 : i32
      %ne3A_281 = vector.broadcast %ne3A_280 : i32 to vector<16xi32>
      %ne3A_282 = arith.cmpi ne, %select_n3A_169, %ne3A_281 : vector<16xi32>
      %gt3A_283 = arith.cmpf ogt, %get3A_80, %select_n3A_276 : vector<16xf32>
      %and3A_284 = arith.andi %ne3A_282, %gt3A_283 : vector<16xi1>
      %select_n3A_285 = arith.select %and3A_284, %get3A_80, %select_n3A_276 : vector<16xi1>, vector<16xf32>
      %broadcast_in_dim3A_286 = arith.constant 12 : i32
      %broadcast_in_dim3A_287 = vector.broadcast %broadcast_in_dim3A_286 : i32 to vector<16xi32>
      %select_n3A_288 = arith.select %and3A_284, %broadcast_in_dim3A_287, %select_n3A_279 : vector<16xi1>, vector<16xi32>
      %ne3A_289 = arith.constant 13 : i32
      %ne3A_290 = vector.broadcast %ne3A_289 : i32 to vector<16xi32>
      %ne3A_291 = arith.cmpi ne, %select_n3A_169, %ne3A_290 : vector<16xi32>
      %gt3A_292 = arith.cmpf ogt, %get3A_85, %select_n3A_285 : vector<16xf32>
      %and3A_293 = arith.andi %ne3A_291, %gt3A_292 : vector<16xi1>
      %select_n3A_294 = arith.select %and3A_293, %get3A_85, %select_n3A_285 : vector<16xi1>, vector<16xf32>
      %broadcast_in_dim3A_295 = arith.constant 13 : i32
      %broadcast_in_dim3A_296 = vector.broadcast %broadcast_in_dim3A_295 : i32 to vector<16xi32>
      %select_n3A_297 = arith.select %and3A_293, %broadcast_in_dim3A_296, %select_n3A_288 : vector<16xi1>, vector<16xi32>
      %ne3A_298 = arith.constant 14 : i32
      %ne3A_299 = vector.broadcast %ne3A_298 : i32 to vector<16xi32>
      %ne3A_300 = arith.cmpi ne, %select_n3A_169, %ne3A_299 : vector<16xi32>
      %gt3A_301 = arith.cmpf ogt, %get3A_90, %select_n3A_294 : vector<16xf32>
      %and3A_302 = arith.andi %ne3A_300, %gt3A_301 : vector<16xi1>
      %select_n3A_303 = arith.select %and3A_302, %get3A_90, %select_n3A_294 : vector<16xi1>, vector<16xf32>
      %broadcast_in_dim3A_304 = arith.constant 14 : i32
      %broadcast_in_dim3A_305 = vector.broadcast %broadcast_in_dim3A_304 : i32 to vector<16xi32>
      %select_n3A_306 = arith.select %and3A_302, %broadcast_in_dim3A_305, %select_n3A_297 : vector<16xi1>, vector<16xi32>
      %ne3A_307 = arith.constant 15 : i32
      %ne3A_308 = vector.broadcast %ne3A_307 : i32 to vector<16xi32>
      %ne3A_309 = arith.cmpi ne, %select_n3A_169, %ne3A_308 : vector<16xi32>
      %gt3A_310 = arith.cmpf ogt, %get3A_95, %select_n3A_303 : vector<16xf32>
      %and3A_311 = arith.andi %ne3A_309, %gt3A_310 : vector<16xi1>
      %select_n3A_312 = arith.select %and3A_311, %get3A_95, %select_n3A_303 : vector<16xi1>, vector<16xf32>
      %broadcast_in_dim3A_313 = arith.constant 15 : i32
      %broadcast_in_dim3A_314 = vector.broadcast %broadcast_in_dim3A_313 : i32 to vector<16xi32>
      %select_n3A_315 = arith.select %and3A_311, %broadcast_in_dim3A_314, %select_n3A_306 : vector<16xi1>, vector<16xi32>
      %swap3A = arith.constant 0 : i32
      %swap3A_316 = arith.index_cast %swap3A : i32 to index
      %swap3A_317 = arith.index_cast %mul3A_16 : i32 to index
      %swap3A_318 = tpu.vector_load %arg6[%swap3A_316, %swap3A_317] {strides = array<i32>} : memref<2x512xf32, #tpu.memory_space<vmem>>, vector<1x16xf32>,
      %swap3A_319 = vector.shape_cast %swap3A_318 : vector<1x16xf32> to vector<16xf32>
      %swap3A_320 = vector.shape_cast %select_n3A_166 : vector<16xf32> to vector<1x16xf32>
      tpu.vector_store %arg6[%swap3A_316, %swap3A_317], %swap3A_320 {strides = array<i32>} : memref<2x512xf32, #tpu.memory_space<vmem>>, vector<1x16xf32>,
      %swap3A_321 = arith.constant 1 : i32
      %swap3A_322 = arith.index_cast %swap3A_321 : i32 to index
      %swap3A_323 = arith.index_cast %mul3A_16 : i32 to index
      %swap3A_324 = tpu.vector_load %arg6[%swap3A_322, %swap3A_323] {strides = array<i32>} : memref<2x512xf32, #tpu.memory_space<vmem>>, vector<1x16xf32>,
      %swap3A_325 = vector.shape_cast %swap3A_324 : vector<1x16xf32> to vector<16xf32>
      %swap3A_326 = vector.shape_cast %select_n3A_312 : vector<16xf32> to vector<1x16xf32>
      tpu.vector_store %arg6[%swap3A_322, %swap3A_323], %swap3A_326 {strides = array<i32>} : memref<2x512xf32, #tpu.memory_space<vmem>>, vector<1x16xf32>,
      %swap3A_327 = arith.constant 0 : i32
      %swap3A_328 = arith.index_cast %swap3A_327 : i32 to index
      %swap3A_329 = arith.index_cast %mul3A_16 : i32 to index
      %swap3A_330 = tpu.vector_load %arg7[%swap3A_328, %swap3A_329] {strides = array<i32>} : memref<2x512xi32, #tpu.memory_space<vmem>>, vector<1x16xi32>,
      %swap3A_331 = vector.shape_cast %swap3A_330 : vector<1x16xi32> to vector<16xi32>
      %swap3A_332 = vector.shape_cast %select_n3A_169 : vector<16xi32> to vector<1x16xi32>
      tpu.vector_store %arg7[%swap3A_328, %swap3A_329], %swap3A_332 {strides = array<i32>} : memref<2x512xi32, #tpu.memory_space<vmem>>, vector<1x16xi32>,
      %swap3A_333 = arith.constant 1 : i32
      %swap3A_334 = arith.index_cast %swap3A_333 : i32 to index
      %swap3A_335 = arith.index_cast %mul3A_16 : i32 to index
      %swap3A_336 = tpu.vector_load %arg7[%swap3A_334, %swap3A_335] {strides = array<i32>} : memref<2x512xi32, #tpu.memory_space<vmem>>, vector<1x16xi32>,
      %swap3A_337 = vector.shape_cast %swap3A_336 : vector<1x16xi32> to vector<16xi32>
      %swap3A_338 = vector.shape_cast %select_n3A_315 : vector<16xi32> to vector<1x16xi32>
      tpu.vector_store %arg7[%swap3A_334, %swap3A_335], %swap3A_338 {strides = array<i32>} : memref<2x512xi32, #tpu.memory_space<vmem>>, vector<1x16xi32>,
    }
    %scan3A_13 = arith.constant 32 : i32
    "tpu.region"() ({
      %run_scoped3A = tpu.sem_alloc : memref<!tpu.dma_semaphore, #tpu.memory_space<semaphore_mem>>
      %dma_start3A_14 = arith.constant 0 : i32
      %dma_start3A_15 = tpu.memref_slice %arg3[%dma_start3A_14, %mul3A_2] : memref<2x16384xf32, #tpu.memory_space<hbm>> -> memref<2x512xf32, #tpu.memory_space<hbm>>
      %dma_start3A_16 = arith.constant 0 : i32
      %dma_start3A_17 = tpu.memref_slice %arg3[%dma_start3A_16, %mul3A_2] : memref<2x16384xf32, #tpu.memory_space<hbm>> -> memref<2x512xf32, #tpu.memory_space<hbm>>
      tpu.enqueue_dma source(%arg6 : memref<2x512xf32, #tpu.memory_space<vmem>>) target(%dma_start3A_17 : memref<2x512xf32, #tpu.memory_space<hbm>>) target_semaphore(%run_scoped3A : memref<!tpu.dma_semaphore, #tpu.memory_space<semaphore_mem>>)
      %dma_wait3A_18 = arith.constant 0 : i32
      %dma_wait3A_19 = tpu.memref_slice %arg3[%dma_wait3A_18, %mul3A_2] : memref<2x16384xf32, #tpu.memory_space<hbm>> -> memref<2x512xf32, #tpu.memory_space<hbm>>
      %dma_wait3A_20 = arith.constant 0 : i32
      %dma_wait3A_21 = tpu.memref_slice %arg3[%dma_wait3A_20, %mul3A_2] : memref<2x16384xf32, #tpu.memory_space<hbm>> -> memref<2x512xf32, #tpu.memory_space<hbm>>
      tpu.wait_dma2 semaphore(%run_scoped3A : memref<!tpu.dma_semaphore, #tpu.memory_space<semaphore_mem>>) src(%arg6 : memref<2x512xf32, #tpu.memory_space<vmem>>) dst(%dma_wait3A_21 : memref<2x512xf32, #tpu.memory_space<hbm>>)
      tpu.yield
    }) : () -> ()
    "tpu.region"() ({
      %run_scoped3A = tpu.sem_alloc : memref<!tpu.dma_semaphore, #tpu.memory_space<semaphore_mem>>
      %dma_start3A_14 = arith.constant 0 : i32
      %dma_start3A_15 = tpu.memref_slice %arg4[%dma_start3A_14, %mul3A_2] : memref<2x16384xi32, #tpu.memory_space<hbm>> -> memref<2x512xi32, #tpu.memory_space<hbm>>
      %dma_start3A_16 = arith.constant 0 : i32
      %dma_start3A_17 = tpu.memref_slice %arg4[%dma_start3A_16, %mul3A_2] : memref<2x16384xi32, #tpu.memory_space<hbm>> -> memref<2x512xi32, #tpu.memory_space<hbm>>
      tpu.enqueue_dma source(%arg7 : memref<2x512xi32, #tpu.memory_space<vmem>>) target(%dma_start3A_17 : memref<2x512xi32, #tpu.memory_space<hbm>>) target_semaphore(%run_scoped3A : memref<!tpu.dma_semaphore, #tpu.memory_space<semaphore_mem>>)
      %dma_wait3A_18 = arith.constant 0 : i32
      %dma_wait3A_19 = tpu.memref_slice %arg4[%dma_wait3A_18, %mul3A_2] : memref<2x16384xi32, #tpu.memory_space<hbm>> -> memref<2x512xi32, #tpu.memory_space<hbm>>
      %dma_wait3A_20 = arith.constant 0 : i32
      %dma_wait3A_21 = tpu.memref_slice %arg4[%dma_wait3A_20, %mul3A_2] : memref<2x16384xi32, #tpu.memory_space<hbm>> -> memref<2x512xi32, #tpu.memory_space<hbm>>
      tpu.wait_dma2 semaphore(%run_scoped3A : memref<!tpu.dma_semaphore, #tpu.memory_space<semaphore_mem>>) src(%arg7 : memref<2x512xi32, #tpu.memory_space<vmem>>) dst(%dma_wait3A_21 : memref<2x512xi32, #tpu.memory_space<hbm>>)
      tpu.yield
    }) : () -> ()
    return
  }
}

module attributes {stable_mosaic.version = 14 : i64} {
  func.func @_tc_body(%arg0: i32, %arg1: memref<1024x2048xf32, #tpu.memory_space<vmem>>, %arg2: memref<16x2048xf32, #tpu.memory_space<vmem>>, %arg3: memref<16x1024xf32, #tpu.memory_space<vmem>>) attributes {dimension_semantics = [#tpu.dimension_semantics<parallel>], iteration_bounds = array<i64: 16>, scalar_prefetch = 0 : i64, scratch_operands = 0 : i64, tpu.core_type = #tpu.core_type<tc>, window_params = [{transform_indices = @transform_0, window_bounds = array<i64: 1024, 2048>}, {pipeline_mode = #tpu.pipeline_mode<synchronous>, transform_indices = @transform_1, window_bounds = array<i64: 16, 2048>}, {transform_indices = @transform_2, window_bounds = array<i64: 16, 1024>}]} {
    %get3A = arith.constant 0 : index
    %get3A_0 = arith.constant 0 : index
    %get3A_1 = vector.load %arg2[%get3A, %get3A_0] : memref<16x2048xf32, #tpu.memory_space<vmem>>, vector<16x2048xf32>
    %get3A_2 = arith.constant 0 : index
    %get3A_3 = arith.constant 0 : index
    %get3A_4 = vector.load %arg1[%get3A_2, %get3A_3] : memref<1024x2048xf32, #tpu.memory_space<vmem>>, vector<1024x2048xf32>
    %dot_general3A = arith.constant dense<0.000000e+00> : vector<16x1024xf32>
    %dot_general3A_5 = tpu.matmul %get3A_1, %get3A_4, %dot_general3A {dimension_numbers = #tpu.dot_dimension_numbers<[1], [1], [0], [0], [0, 0, 1, 0], [], []>, transpose_lhs_hint = false} : vector<16x2048xf32>, vector<1024x2048xf32>, vector<16x1024xf32> -> vector<16x1024xf32>
    %reduce_max3A = arith.constant dense<0xFF800000> : vector<1024xf32>
    %reduce_max3A_6 = vector.multi_reduction <maximumf>, %dot_general3A_5, %reduce_max3A [0] : vector<16x1024xf32> to vector<1024xf32>
    %broadcast_in_dim3A = vector.shape_cast %reduce_max3A_6 : vector<1024xf32> to vector<1x1024xf32>
    %sub3A = vector.broadcast %broadcast_in_dim3A : vector<1x1024xf32> to vector<16x1024xf32>
    %sub3A_7 = arith.subf %dot_general3A_5, %sub3A : vector<16x1024xf32>
    %exp3A = math.exp %sub3A_7 : vector<16x1024xf32>
    %reduce_sum3A = arith.constant dense<0.000000e+00> : vector<1024xf32>
    %reduce_sum3A_8 = vector.multi_reduction <add>, %exp3A, %reduce_sum3A [0] : vector<16x1024xf32> to vector<1024xf32>
    %broadcast_in_dim3A_9 = vector.shape_cast %reduce_sum3A_8 : vector<1024xf32> to vector<1x1024xf32>
    %div3A = arith.constant 1.000000e+00 : f32
    %div3A_10 = vector.broadcast %div3A : f32 to vector<1x1024xf32>
    %div3A_11 = arith.divf %div3A_10, %broadcast_in_dim3A_9 : vector<1x1024xf32>
    %mul3A = vector.broadcast %div3A_11 : vector<1x1024xf32> to vector<16x1024xf32>
    %mul3A_12 = arith.mulf %exp3A, %mul3A : vector<16x1024xf32>
    %swap3A = arith.constant 0 : index
    %swap3A_13 = arith.constant 0 : index
    %swap3A_14 = vector.load %arg3[%swap3A, %swap3A_13] : memref<16x1024xf32, #tpu.memory_space<vmem>>, vector<16x1024xf32>
    tpu.vector_store %arg3[%swap3A, %swap3A_13], %mul3A_12 {strides = array<i32>} : memref<16x1024xf32, #tpu.memory_space<vmem>>, vector<16x1024xf32>,
    return
  }
  func.func @transform_0(%arg0: i32) -> (i32, i32) {
    %c0_i32 = arith.constant 0 : i32
    %c0_i32_0 = arith.constant 0 : i32
    return %arg0, %c0_i32 : i32, i32
  }
  func.func @transform_1(%arg0: i32) -> (i32, i32) {
    %c0_i32 = arith.constant 0 : i32
    %c0_i32_0 = arith.constant 0 : i32
    %c0_i32_1 = arith.constant 0 : i32
    return %c0_i32, %c0_i32_0 : i32, i32
  }
  func.func @transform_2(%arg0: i32) -> (i32, i32) {
    %c0_i32 = arith.constant 0 : i32
    %c0_i32_0 = arith.constant 0 : i32
    return %c0_i32, %arg0 : i32, i32
  }
}

</mosaic_0001>

<sc_bundles>
// kernel: kernel.4.cloned.1.call-start
scs
__scs_entry_jumppad:
0x0: {  	(pc) =	sbr.rel $0x88, $3  }
0x1: {  	(tag) =	ssettag $0x0;
	lr =	simm.s32 $0x1  }
0x2: {  	[smem:$0x3F9F] =	sst lr;
	_ =	strace $0xD0000000  }
0x3: {  	_ = 	snop  }
0x4: {  	_ = 	snop  }
0x5: {  	_ = 	snop  }
0x6: {  	_ = 	snop  }
0x7: {  	_ = 	snop  }
__scs_overlays_trampoline_lowered:
0x8: {  	[smem:$0x3FAE] =	sst s0  }
0x9: {  	[smem:$0x3FAF] =	sst s1  }
0xa: {  	[smem:$0x3FB0] =	sst s2  }
0xb: {  	[smem:$0x3FB1] =	sst s3  }
0xc: {  	[smem:$0x3FB2] =	sst s4  }
0xd: {  	[smem:$0x3FB3] =	sst s5  }
0xe: {  	[smem:$0x3FB4] =	sst s6  }
0xf: {  	[smem:$0x3FB5] =	sst s7  }
0x10: {  	[smem:$0x3FB6] =	sst s8  }
0x11: {  	[smem:$0x3FB7] =	sst s9;
	s0 =	simm.s32 @!p0 $0x0  }
0x12: {  	s1 =	sld [smem:$0x3F9D];
	s0 =	simm.s32 @p0 $0x1  }
0x13: {  	[smem:$0x3FB8] =	sst s0;
	s0 =	simm.s32 @!p1 $0x0  }
0x14: {  	s2 =	sld [smem:$0x3F9C];
	s0 =	simm.s32 @p1 $0x1  }
0x15: {  	[smem:$0x3FB9] =	sst s0;
	s0 =	simm.s32 @!p2 $0x0  }
0x16: {  	s3 =	sld [smem:$0x3FDB];
	s0 =	simm.s32 @p2 $0x1  }
0x17: {  	s4 =	simm.s32 $0x1BF5;
	[smem:$0x3FBB] =	sst s0  }
0x18: {  	s0 =	sld [smem:$0x3F9E];
	_ =	swait.ge [sflag:s4], $0x0  }
0x19: {  	s7 =	sld [smem:$0x3F9F]  }
0x1a: {  	s8 =	sadd.s32 $0xFFFFE003, lr  }
0x1b: {  	s9 =	sadd.s32 $0xFFFFFEF7, lr;
	s5 =	simm.s32 $0xFFFFFFFF;
	p2 =	slt.u32 s8, $0xFFFFF086  }
0x1c: {  	p1 =	slt.u32 s9, $0xF7A;
	s5 =	simm.s32 @!p2 $0x0  }
0x1d: {  	s5 =	simm.s32 @p1 $0x1;
	p0 =	seq.s32 s7, s2  }
0x1e: {  	s7 =	smul.u32 @!p0 $0xF7A, s2;
	p2 =	seq.s32 @!p0 s5, $0x0  }
0x1f: {  	s9 =	smul.u32 $0xF7A, s1;
	s8 =	simm.s32 @!p0 $0x1BF5;
	p2 =	por !p2, p0  }
0x20: {  	[sflag:s8] =	ssyncset.s32 @!p0 $0xFFFFF086;
	s6 =	sadd.s32 @!p0 s3, s7;
	s7 =	simm.s32 @!p0 $0x108  }
0x21: {  	s3 =	sadd.s32 s3, s9;
	s6 =	sadd.s32 @!p0 $0x88, s6;
	s7 =	simm.s32 @p2 $0x1082  }
0x22: {  	[simem:s7], [sflag:s8] =	dma.local @!p0 [hbm:s6], $0xF7A  }
0x23: {  	s9 =	sor.u32 $0xD0000000, s2;
	s6 =	simm.s32 $0x108;
	_ =	swait.ge @!p0 [sflag:s8], $0x0  }
0x24: {  	s3 =	sadd.s32 $0x88, s3;
	s6 =	simm.s32 @!p1 $0x1082;
	[sflag:s4] =	ssyncset.s32 $0xFFFFF086  }
0x25: {  	[simem:s6], [sflag:s4] =	dma.local [hbm:s3], $0xF7A  }
0x26: {  	[smem:$0x3F9F] =	sst s1;
	(tag) =	ssettag s2;
	_ =	strace s9  }
0x27: {  	s1 =	sld [smem:$0x3FAF]  }
0x28: {  	s2 =	sld [smem:$0x3FB0]  }
0x29: {  	s4 =	sld [smem:$0x3FB2]  }
0x2a: {  	p0 =	seq.s32 s5, $0x0;
	s5 =	sld [smem:$0x3FB3]  }
0x2b: {  	s6 =	sld [smem:$0x3FB4]  }
0x2c: {  	s7 =	sld [smem:$0x3FB5]  }
0x2d: {  	s3 =	simm.s32 $0x108;
	s8 =	sld [smem:$0x3FB6]  }
0x2e: {  	s3 =	simm.s32 @!p0 $0x1082;
	s9 =	sld [smem:$0x3FB7]  }
0x2f: {  	lr =	sadd.s32 s0, s3;
	s0 =	sld [smem:$0x3FAE]  }
0x30: {  	s3 =	sld [smem:$0x3FB1]  }
0x31: {  	[smem:$0x3FBA] =	sst s10  }
0x32: {  	s10 =	sld [smem:$0x3FB8];
	_ =	sdelay $0x3  }
0x33: {  	p0 =	seq.s32 s10, $0x1;
	s10 =	sld [smem:$0x3FBA];
	_ =	sdelay $0x3  }
0x34: {  	[smem:$0x3FBA] =	sst s10  }
0x35: {  	s10 =	sld [smem:$0x3FB9];
	_ =	sdelay $0x3  }
0x36: {  	p1 =	seq.s32 s10, $0x1;
	s10 =	sld [smem:$0x3FBA];
	_ =	sdelay $0x3  }
0x37: {  	[smem:$0x3FBA] =	sst s10  }
0x38: {  	s10 =	sld [smem:$0x3FBB]  }
0x39: {  	_ = 	snop;
	(pc) =	sbr.ind lr, $3  }
0x3a: {  	_ = 	snop  }
0x3b: {  	_ = 	snop  }
0x3c: {  	p2 =	seq.s32 s10, $0x1;
	s10 =	sld [smem:$0x3FBA]  }
0x3d: {  	_ =	shalt  }
0x3e: {  	_ =	shalt  }
0x3f: {  	_ =	shalt  }
0x40: {  	_ =	shalt  }
0x41: {  	_ =	shalt  }
0x42: {  	_ =	shalt  }
0x43: {  	_ =	shalt  }
0x44: {  	_ =	shalt  }
0x45: {  	_ =	shalt  }
0x46: {  	_ =	shalt  }
0x47: {  	_ =	shalt  }
0x48: {  	_ =	shalt  }
0x49: {  	_ =	shalt  }
0x4a: {  	_ =	shalt  }
0x4b: {  	_ =	shalt  }
0x4c: {  	_ =	shalt  }
0x4d: {  	_ =	shalt  }
0x4e: {  	_ =	shalt  }
0x4f: {  	_ =	shalt  }
0x50: {  	_ =	shalt  }
0x51: {  	_ =	shalt  }
0x52: {  	_ =	shalt  }
0x53: {  	_ =	shalt  }
0x54: {  	_ =	shalt  }
0x55: {  	_ =	shalt  }
0x56: {  	_ =	shalt  }
0x57: {  	_ =	shalt  }
0x58: {  	_ =	shalt  }
0x59: {  	_ =	shalt  }
0x5a: {  	_ =	shalt  }
0x5b: {  	_ =	shalt  }
0x5c: {  	_ =	shalt  }
0x5d: {  	_ =	shalt  }
0x5e: {  	_ =	shalt  }
0x5f: {  	_ =	shalt  }
0x60: {  	_ =	shalt  }
0x61: {  	_ =	shalt  }
0x62: {  	_ =	shalt  }
0x63: {  	_ =	shalt  }
0x64: {  	_ =	shalt  }
0x65: {  	_ =	shalt  }
0x66: {  	_ =	shalt  }
0x67: {  	_ =	shalt  }
0x68: {  	_ =	shalt  }
0x69: {  	_ =	shalt  }
0x6a: {  	_ =	shalt  }
0x6b: {  	_ =	shalt  }
0x6c: {  	_ =	shalt  }
0x6d: {  	_ =	shalt  }
0x6e: {  	_ =	shalt  }
0x6f: {  	_ =	shalt  }
0x70: {  	_ =	shalt  }
0x71: {  	_ =	shalt  }
0x72: {  	_ =	shalt  }
0x73: {  	_ =	shalt  }
0x74: {  	_ =	shalt  }
0x75: {  	_ =	shalt  }
0x76: {  	_ =	shalt  }
0x77: {  	_ =	shalt  }
0x78: {  	_ =	shalt  }
0x79: {  	_ =	shalt  }
0x7a: {  	_ =	shalt  }
0x7b: {  	_ =	shalt  }
0x7c: {  	_ =	shalt  }
0x7d: {  	_ =	shalt  }
0x7e: {  	_ =	shalt  }
0x7f: {  	_ =	shalt  }
0x80: {  	_ =	shalt  }
0x81: {  	_ =	shalt  }
0x82: {  	_ =	shalt  }
0x83: {  	_ =	shalt  }
0x84: {  	_ =	shalt  }
0x85: {  	_ =	shalt  }
0x86: {  	_ =	shalt  }
0x87: {  	_ =	shalt  }
.Lfunc_end0:
.L_simem_size_0:
called_computation_lowered:
.L_overlay_start_0:
0x88: {  	s2 =	sld [smem:$0x3FD9]  }
0x89: {  	s3 =	sld [smem:$0x3FFE];
	_ =	sdelay $0x1  }
0x8a: {  	s1 =	srdreg.scid  }
0x8b: {  	s0 =	sand.u32 $0x1, s1  }
0x8c: {  	s15 =	sshll.u32 s0, $0xA;
	s2 =	sadd.s32 s3, s2  }
0x8d: {  	s2 =	sadd.s32 s2, s15  }
0x8e: {  	[smem:$0x3FC6] =	sst s2  }
0x8f: {  	_ = 	snop  }
0x90: {  	s2 =	sld [smem:$0x3FD0];
	_ =	sdelay $0x2  }
0x91: {  	s16 =	simm.s32 $0xA;
	s4 =	simm.s32 $0x10  }
0x92: {  	[smem:s4], [sflag:s16] =	dma.local [hbm:s2], $0x1  }
0x93: {  	_ =	swait.eq [sflag:s16], $0x1  }
0x94: {  	s17 =	sld [smem:$0x10];
	[sflag:s16] =	ssyncset.done $0x0  }
0x95: {  	s18 =	sld [smem:$0x11];
	[sflag:s16] =	ssyncadd.s32 $0xFFFFFFFF  }
0x96: {  	s19 =	sld [smem:$0x12];
	(tm) =	ssettm $0x1  }
0x97: {  	s5 =	sld [smem:$0x3FFB];
	_ =	sdelay $0x3  }
0x98: {  	_ =	strace s5  }
0x99: {  	s5 =	sld [smem:$0x3FFC];
	_ =	sdelay $0x3  }
0x9a: {  	_ =	strace s5  }
0x9b: {  	s5 =	sld [smem:$0x3FFD];
	_ =	sdelay $0x3  }
0x9c: {  	_ =	strace s5  }
0x9d: {  	_ =	strace $0x8FFFFFFF  }
0x9e: {  	s20 =	sld [smem:$0x3FDB];
	_ =	sdelay $0x1  }
0x9f: {  	s6 =	simm.s32 $_scs_section_size  }
0xa0: {  	s7 =	simm.s32 $_size__tile_overlayer_lowered;
	s8 =	simm.s32 $_tile_overlayer_lowered  }
0xa1: {  	s23 =	simm.s32 $0x1BFF;
	s22 =	sshll.u32 s8, $0x1;
	s5 =	sadd.s32 s6, s20  }
0xa2: {  	s9 =	simm.s32 $0x0;
	s21 =	sshll.u32 s7, $0x1;
	s7 =	sadd.s32 s22, s5  }
0xa3: {  	[timem:s9], [sflag:s23] =	dma.local [hbm:s7], s21  }
0xa4: {  	_ =	swait.ge [sflag:s23], s21  }
0xa5: {  	s6 =	ssub.s32 $0x0, s21;
	[sflag:s23] =	ssyncset.done $0x0  }
0xa6: {  	[sflag:s23] =	ssyncadd.s32 s6;
	_ =	sdelay $0x1  }
0xa7: {  	s24 =	simm.s32 $0x1B8B  }
0xa8: {  	_ =	swait.ge [sflag:s24], $0x1  }
0xa9: {  	[sflag:s24] =	ssyncset.done $0x0  }
0xaa: {  	s25 =	simm.s32 $0x1B8E;
	[sflag:s24] =	ssyncadd.s32 $0xFFFFFFFF  }
0xab: {  	s26 =	simm.s32 $execute0_lowered;
	[smem:$0x3FD2] =	sst s25  }
0xac: {  	s6 =	sshll.u32 s26, $0x1;
	_ =	strace $0x80000046;
	[dreg:$0x1] =	wrdreg $0xFFFFFFFF  }
0xad: {  	s28 =	simm.s32 $_size_execute0_lowered;
	s5 =	sadd.s32 s5, s6;
	[dreg:$0x0] =	wrdreg $0x0  }
0xae: {  	s6 =	sshll.u32 s28, $0x1;
	[dreg:$0x2] =	wrdreg s5  }
0xaf: {  	[dreg:$0x3] =	wrdreg s6  }
0xb0: {  	[dreg:$0x4] =	wrdreg $0xC0  }
0xb1: {  	_ =	task [dreg:s9], $0x5FFFF  }
0xb2: {  	[dreg:$0x1] =	wrdreg $0xFFFFFFFF  }
0xb3: {  	[dreg:$0x0] =	wrdreg $0x60  }
0xb4: {  	[dreg:$0x2] =	wrdreg s17  }
0xb5: {  	[dreg:$0x3] =	wrdreg s18  }
0xb6: {  	[dreg:$0x4] =	wrdreg s19  }
0xb7: {  	[dreg:$0x5] =	wrdreg $0x9  }
0xb8: {  	_ =	task.clear_ibuf [dreg:s9], $0x6FFFF;
	_ =	strace $0x90000046  }
0xb9: {  	s29 =	simm.s32 $0x9;
	_ =	strace $0x80000048  }
0xba: {  	_ =	swait.ge [sflag:s29], $0x1  }
0xbb: {  	[sflag:s29] =	ssyncadd.s32 $0xFFFFFFFF  }
0xbc: {  	_ =	strace $0x90000048  }
0xbd: {  	_ =	sfence  }
0xbe: {  	s30 =	sld [smem:$0x0];
	_ =	sdelay $0x2  }
0xbf: {  	s31 =	sshll.u32 s1, $0xD;
	s1 =	sshrl.u32 s1, $0x2  }
0xc0: {  	s3 =	sand.u32 $0x4000, s31;
	s1 =	sadd.s32 s1, s30  }
0xc1: {  	s0 =	sor.u32 s3, s0;
	s1 =	sshll.u32 s1, $0x11  }
0xc2: {  	s0 =	sor.u32 s1, s0  }
0xc3: {  	s0 =	sadd.s32 $0x8F2B, s0  }
0xc4: {  	[sflag:s0] =	ssyncadd.remote.s32 $0x1  }
0xc5: {  	_ =	sfence.sel $0xFFFF  }
0xc6: {  	[dreg:$0x0] =	wrdreg $0xFFFFFFFF;
	(pc) =	sbr.abs _section_cstart, $3  }
0xc7: {  	[dreg:$0x1] =	wrdreg $0xFFFFFFFF  }
0xc8: {  	_ =	task.clear_ibuf [dreg:s9], $0x2FFFF;
	_ =	strace $0x9FFFFFFF  }
0xc9: {  	(tm) =	ssettm $0x7FFFFFFF  }
tec
execute0_lowered:
.L_overlay_start_1:
0x0: {  	(tag) =	ssettag $0x1  }
0x1: {  	s3 =	rddreg [dreg:$0x0]  }
0x2: {  	s4 =	rddreg [dreg:$0x1]  }
0x3: {  	s5 =	rddreg [dreg:$0x2];
	s2 =	srdreg.scid  }
0x4: {  	s0 =	rddreg [dreg:$0x3];
	s1 =	stileid.u32;
	s10 =	simm.s32 $0x2000  }
0x5: {  	s11 =	simm.s32 $0x2;
	s12 =	simm.s32 $0x2400;
	s13 =	simm.s32 $0x0  }
0x6: {  	s6 =	sand.u32 $0x1, s2;
	s2 =	simm.s32 $0x0;
	s7 =	sshll.u32 s1, $0xA  }
0x7: {  	s8 =	sshll.u32 s6, $0x9;
	[smem:$0x7FF] =	sst s2;
	s6 =	ssub.s32 $0x2, s6  }
0x8: {  	s7 =	sor.u32 s8, s7;
	_ =	strace $0x80000047;
	s31 =	sshrl.u32 s6, $0x1  }
0x9: {  	s8 =	simm.s32 $0x20000;
	s9 =	sshrl.u32 s7, $0x2;
	s6 =	ssub.s32 s6, s31  }
0xa: {  	s3 =	sadd.s32 s3, s7;
	s7 =	simm.s32 $0x1000;
	s4 =	sadd.s32 s4, s9  }
0xb: {  	v0 =	vimm.s32 $0x0;
	s5 =	sadd.s32 s5, s9;
	s6 =	smax.u32 s6, $0x1;
	s9 =	simm.s32 $0x1  }
.LBB2_1:
0xc: {  	[tilespmem:s2], [sflag:$0x1] =	stream.strided.gather [hbm4b:s3+s7], $0x2000, s8, s7, $0x38;
	[tilespmem:$0x2800] =	vst v63  }
0xd: {  	s15 =	simm.s32 $0x0;
	_ =	swait.ge [sflag:s9], $0x2000  }
0xe: {  	s14 =	sand.u32 $0x70, s2;
	s15 =	sand.u32 $0x3FFFFC00, s15;
	[sflag:s9] =	ssyncset.done $0x0  }
0xf: {  	s15 =	sor.u32 s14, s15;
	[sflag:s9] =	ssyncadd.s32 $0xFFFFE000  }
0x10: {  	v2 =	vld [tilespmem:s15+$0x0]  }
0x11: {  	v3 =	vld [tilespmem:s15+$0x80];
	_ =	sdelay $0x1  }
0x12: {  	v4 =	vld [tilespmem:s15+$0x100];
	_ =	sdelay $0x1  }
0x13: {  	v5 =	vld [tilespmem:s15+$0x180]  }
0x14: {  	vm0 =	vgt.f32 v3, v2  }
0x15: {  	v6 =	vld [tilespmem:s15+$0x200];
	v1 =	vsel vm0, v3, v2  }
0x16: {  	vm1 =	vgt.f32 v4, v1  }
0x17: {  	v7 =	vld [tilespmem:s15+$0x280];
	v1 =	vsel vm1, v4, v1  }
0x18: {  	vm2 =	vgt.f32 v5, v1  }
0x19: {  	v8 =	vld [tilespmem:s15+$0x300];
	v1 =	vsel vm2, v5, v1  }
0x1a: {  	vm3 =	vgt.f32 v6, v1  }
0x1b: {  	v9 =	vld [tilespmem:s15+$0x380];
	v1 =	vsel vm3, v6, v1  }
0x1c: {  	vm4 =	vgt.f32 v7, v1  }
0x1d: {  	v10 =	vld [tilespmem:s15+$0x1000];
	v1 =	vsel vm4, v7, v1  }
0x1e: {  	vm5 =	vgt.f32 v8, v1  }
0x1f: {  	v11 =	vld [tilespmem:s15+$0x1080];
	v1 =	vsel vm5, v8, v1  }
0x20: {  	vm6 =	vgt.f32 v9, v1  }
0x21: {  	v12 =	vld [tilespmem:s15+$0x1100];
	v1 =	vsel vm6, v9, v1  }
0x22: {  	vm7 =	vgt.f32 v10, v1  }
0x23: {  	v14 =	vld [tilespmem:s15+$0x1180];
	v13 =	vsel vm0, $0x1, v0;
	v1 =	vsel vm7, v10, v1  }
0x24: {  	v13 =	vsel vm1, $0x2, v13;
	vm0 =	vgt.f32 v11, v1  }
0x25: {  	v15 =	vld [tilespmem:s15+$0x1200];
	v13 =	vsel vm2, $0x3, v13;
	v1 =	vsel vm0, v11, v1  }
0x26: {  	v13 =	vsel vm3, $0x4, v13;
	vm1 =	vgt.f32 v12, v1  }
0x27: {  	v16 =	vld [tilespmem:s15+$0x1280];
	v13 =	vsel vm4, $0x5, v13;
	v1 =	vsel vm1, v12, v1  }
0x28: {  	v13 =	vsel vm5, $0x6, v13;
	vm2 =	vgt.f32 v14, v1  }
0x29: {  	v17 =	vld [tilespmem:s15+$0x1300];
	v13 =	vsel vm6, $0x7, v13;
	v18 =	vsel vm2, v14, v1  }
0x2a: {  	v1 =	vsel vm7, $0x8, v13;
	vm3 =	vgt.f32 v15, v18  }
0x2b: {  	v13 =	vsel vm0, $0x9, v1;
	v1 =	vld [tilespmem:s15+$0x1380];
	v18 =	vsel vm3, v15, v18  }
0x2c: {  	v13 =	vsel vm1, $0xA, v13;
	vm0 =	vgt.f32 v16, v18  }
0x2d: {  	v13 =	vsel vm2, $0xB, v13;
	v18 =	vsel vm0, v16, v18  }
0x2e: {  	v13 =	vsel vm3, $0xC, v13;
	vm1 =	vgt.f32 v17, v18  }
0x2f: {  	v13 =	vsel vm0, $0xD, v13;
	v18 =	vsel vm1, v17, v18  }
0x30: {  	v13 =	vsel vm1, $0xE, v13;
	vm0 =	vgt.f32 v1, v18  }
0x31: {  	vm2 =	vgt.f32 v2, $-Inf;
	vm1 =	vlt.f32 v2, $-Inf;
	v13 =	vsel vm0, $0xF, v13  }
0x32: {  	vm1 =	vmor vm2, vm1;
	vm2 =	vne.s32 v13, $0x0  }
0x33: {  	vm1 =	vmand vm1, vm2  }
0x34: {  	v2 =	vnsel vm1, $0xFF800000, v2  }
0x35: {  	vm1 =	vne.s32 v13, $0x1;
	vm2 =	vgt.f32 v3, v2  }
0x36: {  	vm1 =	vmand vm1, vm2  }
0x37: {  	v2 =	vsel vm1, v3, v2  }
0x38: {  	vm2 =	vne.s32 v13, $0x2;
	vm3 =	vgt.f32 v4, v2  }
0x39: {  	vm2 =	vmand vm2, vm3  }
0x3a: {  	v2 =	vsel vm2, v4, v2  }
0x3b: {  	vm3 =	vne.s32 v13, $0x3;
	vm12 =	vgt.f32 v5, v2  }
0x3c: {  	vm3 =	vmand vm3, vm12  }
0x3d: {  	v2 =	vsel vm3, v5, v2  }
0x3e: {  	vm13 =	vne.s32 v13, $0x4;
	vm14 =	vgt.f32 v6, v2  }
0x3f: {  	vm4 =	vmand vm13, vm14  }
0x40: {  	v2 =	vsel vm4, v6, v2  }
0x41: {  	vm15 =	vne.s32 v13, $0x5;
	vm9 =	vgt.f32 v7, v2  }
0x42: {  	vm5 =	vmand vm15, vm9  }
0x43: {  	v2 =	vsel vm5, v7, v2  }
0x44: {  	vm10 =	vne.s32 v13, $0x6;
	vm11 =	vgt.f32 v8, v2  }
0x45: {  	vm6 =	vmand vm10, vm11  }
0x46: {  	v2 =	vsel vm6, v8, v2  }
0x47: {  	vm12 =	vne.s32 v13, $0x7;
	vm8 =	vgt.f32 v9, v2  }
0x48: {  	vm7 =	vmand vm12, vm8  }
0x49: {  	v2 =	vsel vm7, v9, v2  }
0x4a: {  	vm13 =	vne.s32 v13, $0x8;
	vm9 =	vgt.f32 v10, v2  }
0x4b: {  	vm8 =	vmand vm13, vm9  }
0x4c: {  	v2 =	vsel vm8, v10, v2  }
0x4d: {  	vm14 =	vne.s32 v13, $0x9;
	vm10 =	vgt.f32 v11, v2  }
0x4e: {  	vm9 =	vmand vm14, vm10  }
0x4f: {  	v2 =	vsel vm9, v11, v2  }
0x50: {  	vm15 =	vne.s32 v13, $0xA;
	vm11 =	vgt.f32 v12, v2  }
0x51: {  	vm10 =	vmand vm15, vm11  }
0x52: {  	v2 =	vsel vm10, v12, v2  }
0x53: {  	v3 =	vsel vm1, $0x1, v0;
	vm1 =	vne.s32 v13, $0xB;
	vm12 =	vgt.f32 v14, v2  }
0x54: {  	v3 =	vsel vm2, $0x2, v3;
	vm1 =	vmand vm1, vm12  }
0x55: {  	v3 =	vsel vm3, $0x3, v3;
	v2 =	vsel vm1, v14, v2  }
0x56: {  	vm2 =	vne.s32 v13, $0xC;
	v3 =	vsel vm4, $0x4, v3;
	vm3 =	vgt.f32 v15, v2  }
0x57: {  	v3 =	vsel vm5, $0x5, v3;
	vm2 =	vmand vm2, vm3  }
0x58: {  	v3 =	vsel vm6, $0x6, v3;
	v2 =	vsel vm2, v15, v2  }
0x59: {  	v3 =	vsel vm7, $0x7, v3;
	vm3 =	vne.s32 v13, $0xD;
	vm13 =	vgt.f32 v16, v2  }
0x5a: {  	v3 =	vsel vm8, $0x8, v3;
	vm3 =	vmand vm3, vm13  }
0x5b: {  	v3 =	vsel vm9, $0x9, v3;
	v2 =	vsel vm3, v16, v2  }
0x5c: {  	s31 =	simm.s32 $0x0;
	vm14 =	vne.s32 v13, $0xE;
	v3 =	vsel vm10, $0xA, v3;
	vm15 =	vgt.f32 v17, v2  }
0x5d: {  	s15 =	sand.u32 $0xFFFFFF00, s31;
	v3 =	vsel vm1, $0xB, v3;
	vm1 =	vmand vm14, vm15  }
0x5e: {  	s17 =	sor.u32 s14, s15;
	v4 =	vsel vm0, v1, v18;
	v3 =	vsel vm2, $0xC, v3;
	v2 =	vsel vm1, v17, v2  }
0x5f: {  	[tilespmem:s17+$0x2400] =	vst v13;
	vm0 =	vne.s32 v13, $0xF;
	v3 =	vsel vm3, $0xD, v3;
	vm2 =	vgt.f32 v1, v2  }
0x60: {  	s18 =	simm.s32 $0x2;
	s14 =	simm.s32 $0x1;
	s15 =	simm.s32 $0x0;
	[tilespmem:s17+$0x2000] =	vst v4;
	v3 =	vsel vm1, $0xE, v3;
	vm0 =	vmand vm0, vm2  }
.LBB2_2:
0x61: {  	s20 =	sshll.u32 s14, $0x7  }
0x62: {  	v1 =	vsel vm0, v1, v2;
	v2 =	vsel vm0, $0xF, v3;
	s15 =	sadd.s32 $0x10, s15;
	s19 =	smov.u32 s18;
	s16 =	sadd.s32 $0x1, s18  }
0x63: {  	p0 =	sne.s32 s18, $0x1F;
	s18 =	sand.u32 $0x70, s15;
	s20 =	sand.u32 $0x3FFFFC00, s20;
	[tilespmem:s17+$0x2080] =	vst v1  }
0x64: {  	s20 =	sor.u32 s18, s20;
	[tilespmem:s17+$0x2480] =	vst v2  }
0x65: {  	v10 =	vld [tilespmem:s20+$0x0]  }
0x66: {  	v11 =	vld [tilespmem:s20+$0x80];
	_ =	sdelay $0x1  }
0x67: {  	v12 =	vld [tilespmem:s20+$0x100];
	_ =	sdelay $0x1  }
0x68: {  	v13 =	vld [tilespmem:s20+$0x180];
	vm0 =	vlt.f32 v10, $-Inf;
	vm2 =	vgt.f32 v10, $-Inf  }
0x69: {  	vm1 =	vgt.f32 v11, v10;
	vm0 =	vmor vm2, vm0  }
0x6a: {  	v14 =	vld [tilespmem:s20+$0x200];
	v1 =	vsel vm1, v11, v10  }
0x6b: {  	vm2 =	vgt.f32 v12, v1  }
0x6c: {  	v15 =	vld [tilespmem:s20+$0x280];
	v1 =	vsel vm2, v12, v1  }
0x6d: {  	vm3 =	vgt.f32 v13, v1  }
0x6e: {  	v16 =	vld [tilespmem:s20+$0x300];
	v1 =	vsel vm3, v13, v1  }
0x6f: {  	vm4 =	vgt.f32 v14, v1  }
0x70: {  	v9 =	vld [tilespmem:s20+$0x380];
	v1 =	vsel vm4, v14, v1  }
0x71: {  	vm5 =	vgt.f32 v15, v1  }
0x72: {  	v8 =	vld [tilespmem:s20+$0x1000];
	v1 =	vsel vm5, v15, v1  }
0x73: {  	vm6 =	vgt.f32 v16, v1  }
0x74: {  	v7 =	vld [tilespmem:s20+$0x1080];
	v1 =	vsel vm6, v16, v1  }
0x75: {  	vm7 =	vgt.f32 v9, v1  }
0x76: {  	v6 =	vld [tilespmem:s20+$0x1100];
	v1 =	vsel vm7, v9, v1  }
0x77: {  	v2 =	vsel vm1, $0x1, v0;
	vm1 =	vgt.f32 v8, v1  }
0x78: {  	v2 =	vsel vm2, $0x2, v2;
	v5 =	vld [tilespmem:s20+$0x1180];
	v1 =	vsel vm1, v8, v1  }
0x79: {  	v2 =	vsel vm3, $0x3, v2;
	vm2 =	vgt.f32 v7, v1  }
0x7a: {  	v2 =	vsel vm4, $0x4, v2;
	v4 =	vld [tilespmem:s20+$0x1200];
	v1 =	vsel vm2, v7, v1  }
0x7b: {  	v2 =	vsel vm5, $0x5, v2;
	vm3 =	vgt.f32 v6, v1  }
0x7c: {  	v2 =	vsel vm6, $0x6, v2;
	v3 =	vld [tilespmem:s20+$0x1280];
	v1 =	vsel vm3, v6, v1  }
0x7d: {  	v17 =	vsel vm7, $0x7, v2;
	vm4 =	vgt.f32 v5, v1  }
0x7e: {  	v17 =	vsel vm1, $0x8, v17;
	v2 =	vld [tilespmem:s20+$0x1300];
	v18 =	vsel vm4, v5, v1  }
0x7f: {  	v17 =	vsel vm2, $0x9, v17;
	vm1 =	vgt.f32 v4, v18  }
0x80: {  	v17 =	vsel vm3, $0xA, v17;
	v1 =	vld [tilespmem:s20+$0x1380];
	v18 =	vsel vm1, v4, v18  }
0x81: {  	v17 =	vsel vm4, $0xB, v17;
	vm2 =	vgt.f32 v3, v18  }
0x82: {  	v17 =	vsel vm1, $0xC, v17;
	v18 =	vsel vm2, v3, v18  }
0x83: {  	v17 =	vsel vm2, $0xD, v17;
	vm1 =	vgt.f32 v2, v18  }
0x84: {  	s17 =	sshll.u32 s14, $0x5;
	s14 =	smov.u32 s19;
	v18 =	vsel vm1, v2, v18;
	v17 =	vsel vm1, $0xE, v17  }
0x85: {  	s17 =	sand.u32 $0xFFFFFF00, s17;
	vm1 =	vgt.f32 v1, v18  }
0x86: {  	s17 =	sor.u32 s18, s17;
	v18 =	vsel vm1, v1, v18;
	v17 =	vsel vm1, $0xF, v17  }
0x87: {  	vm1 =	vne.s32 v17, $0x0;
	[tilespmem:s17+$0x2000] =	vst v18  }
0x88: {  	vm0 =	vmand vm0, vm1;
	[tilespmem:s17+$0x2400] =	vst v17  }
0x89: {  	v10 =	vnsel vm0, $0xFF800000, v10;
	vm0 =	vne.s32 v17, $0x1  }
0x8a: {  	vm1 =	vgt.f32 v11, v10  }
0x8b: {  	vm0 =	vmand vm0, vm1  }
0x8c: {  	vm1 =	vne.s32 v17, $0x2;
	v10 =	vsel vm0, v11, v10  }
0x8d: {  	vm2 =	vgt.f32 v12, v10  }
0x8e: {  	vm1 =	vmand vm1, vm2  }
0x8f: {  	vm2 =	vne.s32 v17, $0x3;
	v10 =	vsel vm1, v12, v10  }
0x90: {  	vm3 =	vgt.f32 v13, v10  }
0x91: {  	vm2 =	vmand vm2, vm3  }
0x92: {  	vm3 =	vne.s32 v17, $0x4;
	v10 =	vsel vm2, v13, v10  }
0x93: {  	vm4 =	vgt.f32 v14, v10  }
0x94: {  	vm3 =	vmand vm3, vm4  }
0x95: {  	vm4 =	vne.s32 v17, $0x5;
	v10 =	vsel vm3, v14, v10  }
0x96: {  	vm5 =	vgt.f32 v15, v10  }
0x97: {  	vm4 =	vmand vm4, vm5  }
0x98: {  	vm5 =	vne.s32 v17, $0x6;
	v10 =	vsel vm4, v15, v10  }
0x99: {  	vm6 =	vgt.f32 v16, v10  }
0x9a: {  	vm5 =	vmand vm5, vm6  }
0x9b: {  	vm6 =	vne.s32 v17, $0x7;
	v10 =	vsel vm5, v16, v10  }
0x9c: {  	vm7 =	vgt.f32 v9, v10  }
0x9d: {  	vm6 =	vmand vm6, vm7  }
0x9e: {  	vm7 =	vne.s32 v17, $0x8;
	v9 =	vsel vm6, v9, v10  }
0x9f: {  	vm8 =	vgt.f32 v8, v9  }
0xa0: {  	vm7 =	vmand vm7, vm8  }
0xa1: {  	vm8 =	vne.s32 v17, $0x9;
	v8 =	vsel vm7, v8, v9  }
0xa2: {  	vm9 =	vgt.f32 v7, v8  }
0xa3: {  	vm8 =	vmand vm8, vm9  }
0xa4: {  	vm9 =	vne.s32 v17, $0xA;
	v7 =	vsel vm8, v7, v8  }
0xa5: {  	vm10 =	vgt.f32 v6, v7  }
0xa6: {  	vm9 =	vmand vm9, vm10  }
0xa7: {  	v8 =	vsel vm0, $0x1, v0;
	vm0 =	vne.s32 v17, $0xB;
	v6 =	vsel vm9, v6, v7  }
0xa8: {  	v7 =	vsel vm1, $0x2, v8;
	vm1 =	vgt.f32 v5, v6  }
0xa9: {  	v7 =	vsel vm2, $0x3, v7;
	vm0 =	vmand vm0, vm1  }
0xaa: {  	v7 =	vsel vm3, $0x4, v7;
	vm1 =	vne.s32 v17, $0xC;
	v5 =	vsel vm0, v5, v6  }
0xab: {  	v6 =	vsel vm4, $0x5, v7;
	vm2 =	vgt.f32 v4, v5  }
0xac: {  	v6 =	vsel vm5, $0x6, v6;
	vm1 =	vmand vm1, vm2  }
0xad: {  	v6 =	vsel vm6, $0x7, v6;
	vm2 =	vne.s32 v17, $0xD;
	v4 =	vsel vm1, v4, v5  }
0xae: {  	v5 =	vsel vm7, $0x8, v6;
	vm3 =	vgt.f32 v3, v4  }
0xaf: {  	v5 =	vsel vm8, $0x9, v5;
	vm2 =	vmand vm2, vm3  }
0xb0: {  	v5 =	vsel vm9, $0xA, v5;
	vm3 =	vne.s32 v17, $0xE;
	v3 =	vsel vm2, v3, v4  }
.Ltmp0:
0xb1: {  	v4 =	vsel vm0, $0xB, v5;
	vm0 =	vgt.f32 v2, v3;
	(pc) =	sbr.rel @p0 .LBB2_2-.Ltmp0, $4  }
0xb2: {  	v4 =	vsel vm1, $0xC, v4;
	vm0 =	vmand vm3, vm0  }
0xb3: {  	vm1 =	vne.s32 v17, $0xF;
	v4 =	vsel vm2, $0xD, v4;
	v2 =	vsel vm0, v2, v3  }
0xb4: {  	v3 =	vsel vm0, $0xE, v4;
	vm0 =	vgt.f32 v1, v2  }
0xb5: {  	s18 =	smov.u32 s16;
	vm0 =	vmand vm1, vm0  }
0xb6: {  	s16 =	sshll.u32 s14, $0x7;
	v1 =	vsel vm0, v1, v2;
	s15 =	sadd.s32 $0x10, s15  }
0xb7: {  	v2 =	vsel vm0, $0xF, v3;
	s15 =	sand.u32 $0x70, s15;
	s16 =	sand.u32 $0x3FFFFC00, s16;
	[tilespmem:s17+$0x2080] =	vst v1  }
0xb8: {  	[tilespmem:s17+$0x2480] =	vst v2;
	s16 =	sor.u32 s15, s16  }
0xb9: {  	v1 =	vld [tilespmem:s16+$0x0]  }
0xba: {  	v2 =	vld [tilespmem:s16+$0x80];
	_ =	sdelay $0x1  }
0xbb: {  	v3 =	vld [tilespmem:s16+$0x100];
	_ =	sdelay $0x1  }
0xbc: {  	v4 =	vld [tilespmem:s16+$0x180]  }
0xbd: {  	vm11 =	vgt.f32 v2, v1  }
0xbe: {  	v5 =	vld [tilespmem:s16+$0x200];
	v6 =	vsel vm11, v2, v1  }
0xbf: {  	vm1 =	vgt.f32 v3, v6  }
0xc0: {  	v7 =	vld [tilespmem:s16+$0x280];
	v6 =	vsel vm1, v3, v6  }
0xc1: {  	vm2 =	vgt.f32 v4, v6  }
0xc2: {  	v8 =	vld [tilespmem:s16+$0x300];
	v6 =	vsel vm2, v4, v6  }
0xc3: {  	vm3 =	vgt.f32 v5, v6  }
0xc4: {  	v9 =	vld [tilespmem:s16+$0x380];
	v6 =	vsel vm3, v5, v6  }
0xc5: {  	vm4 =	vgt.f32 v7, v6  }
0xc6: {  	v10 =	vld [tilespmem:s16+$0x1000];
	v6 =	vsel vm4, v7, v6  }
0xc7: {  	vm5 =	vgt.f32 v8, v6  }
0xc8: {  	v11 =	vld [tilespmem:s16+$0x1080];
	v6 =	vsel vm5, v8, v6  }
0xc9: {  	vm6 =	vgt.f32 v9, v6  }
0xca: {  	v12 =	vld [tilespmem:s16+$0x1100];
	v6 =	vsel vm6, v9, v6  }
0xcb: {  	vm7 =	vgt.f32 v10, v6  }
0xcc: {  	v14 =	vld [tilespmem:s16+$0x1180];
	v13 =	vsel vm11, $0x1, v0;
	v6 =	vsel vm7, v10, v6  }
0xcd: {  	v13 =	vsel vm1, $0x2, v13;
	vm12 =	vgt.f32 v11, v6  }
0xce: {  	v15 =	vld [tilespmem:s16+$0x1200];
	v13 =	vsel vm2, $0x3, v13;
	v6 =	vsel vm12, v11, v6  }
0xcf: {  	v13 =	vsel vm3, $0x4, v13;
	vm13 =	vgt.f32 v12, v6  }
0xd0: {  	v16 =	vld [tilespmem:s16+$0x1280];
	v13 =	vsel vm4, $0x5, v13;
	v6 =	vsel vm13, v12, v6  }
0xd1: {  	v13 =	vsel vm5, $0x6, v13;
	vm14 =	vgt.f32 v14, v6  }
0xd2: {  	v17 =	vld [tilespmem:s16+$0x1300];
	v13 =	vsel vm6, $0x7, v13;
	v6 =	vsel vm14, v14, v6  }
0xd3: {  	v13 =	vsel vm7, $0x8, v13;
	vm15 =	vgt.f32 v15, v6  }
0xd4: {  	v18 =	vld [tilespmem:s16+$0x1380];
	v13 =	vsel vm12, $0x9, v13;
	v6 =	vsel vm15, v15, v6  }
0xd5: {  	v13 =	vsel vm13, $0xA, v13;
	vm4 =	vgt.f32 v16, v6  }
0xd6: {  	v13 =	vsel vm14, $0xB, v13;
	v6 =	vsel vm4, v16, v6  }
0xd7: {  	v13 =	vsel vm15, $0xC, v13;
	vm5 =	vgt.f32 v17, v6  }
0xd8: {  	v13 =	vsel vm4, $0xD, v13;
	v6 =	vsel vm5, v17, v6  }
0xd9: {  	v13 =	vsel vm5, $0xE, v13;
	vm0 =	vgt.f32 v18, v6  }
0xda: {  	vm6 =	vlt.f32 v1, $-Inf;
	vm7 =	vgt.f32 v1, $-Inf;
	v13 =	vsel vm0, $0xF, v13  }
0xdb: {  	vm1 =	vmor vm7, vm6;
	vm8 =	vne.s32 v13, $0x0  }
0xdc: {  	vm1 =	vmand vm1, vm8  }
0xdd: {  	v1 =	vnsel vm1, $0xFF800000, v1  }
0xde: {  	vm9 =	vne.s32 v13, $0x1;
	vm10 =	vgt.f32 v2, v1  }
0xdf: {  	vm1 =	vmand vm9, vm10  }
0xe0: {  	v1 =	vsel vm1, v2, v1  }
0xe1: {  	vm11 =	vne.s32 v13, $0x2;
	vm12 =	vgt.f32 v3, v1  }
0xe2: {  	vm2 =	vmand vm11, vm12  }
0xe3: {  	v1 =	vsel vm2, v3, v1  }
0xe4: {  	vm13 =	vne.s32 v13, $0x3;
	vm14 =	vgt.f32 v4, v1  }
0xe5: {  	vm3 =	vmand vm13, vm14  }
0xe6: {  	v1 =	vsel vm3, v4, v1  }
0xe7: {  	vm15 =	vne.s32 v13, $0x4;
	vm8 =	vgt.f32 v5, v1  }
0xe8: {  	vm4 =	vmand vm15, vm8  }
0xe9: {  	v1 =	vsel vm4, v5, v1  }
0xea: {  	vm9 =	vne.s32 v13, $0x5;
	vm10 =	vgt.f32 v7, v1  }
0xeb: {  	vm5 =	vmand vm9, vm10  }
0xec: {  	v1 =	vsel vm5, v7, v1  }
0xed: {  	vm11 =	vne.s32 v13, $0x6;
	vm12 =	vgt.f32 v8, v1  }
0xee: {  	vm6 =	vmand vm11, vm12  }
0xef: {  	v1 =	vsel vm6, v8, v1  }
0xf0: {  	vm13 =	vne.s32 v13, $0x7;
	vm8 =	vgt.f32 v9, v1  }
0xf1: {  	vm7 =	vmand vm13, vm8  }
0xf2: {  	v1 =	vsel vm7, v9, v1  }
0xf3: {  	vm14 =	vne.s32 v13, $0x8;
	vm9 =	vgt.f32 v10, v1  }
0xf4: {  	vm8 =	vmand vm14, vm9  }
0xf5: {  	v1 =	vsel vm8, v10, v1  }
0xf6: {  	vm15 =	vne.s32 v13, $0x9;
	vm10 =	vgt.f32 v11, v1  }
0xf7: {  	vm9 =	vmand vm15, vm10  }
0xf8: {  	v1 =	vsel vm9, v11, v1  }
0xf9: {  	vm12 =	vne.s32 v13, $0xA;
	vm11 =	vgt.f32 v12, v1  }
0xfa: {  	vm10 =	vmand vm12, vm11  }
0xfb: {  	v1 =	vsel vm10, v12, v1  }
0xfc: {  	vm11 =	vne.s32 v13, $0xB;
	vm12 =	vgt.f32 v14, v1  }
0xfd: {  	v2 =	vsel vm1, $0x1, v0;
	vm1 =	vmand vm11, vm12  }
0xfe: {  	v2 =	vsel vm2, $0x2, v2;
	v1 =	vsel vm1, v14, v1  }
0xff: {  	v2 =	vsel vm3, $0x3, v2;
	vm13 =	vne.s32 v13, $0xC;
	vm14 =	vgt.f32 v15, v1  }
0x100: {  	v2 =	vsel vm4, $0x4, v2;
	vm2 =	vmand vm13, vm14  }
0x101: {  	v2 =	vsel vm5, $0x5, v2;
	v1 =	vsel vm2, v15, v1  }
0x102: {  	v2 =	vsel vm6, $0x6, v2;
	vm15 =	vne.s32 v13, $0xD;
	vm11 =	vgt.f32 v16, v1  }
0x103: {  	v2 =	vsel vm7, $0x7, v2;
	vm3 =	vmand vm15, vm11  }
0x104: {  	v2 =	vsel vm8, $0x8, v2;
	v1 =	vsel vm3, v16, v1  }
0x105: {  	v2 =	vsel vm9, $0x9, v2;
	vm12 =	vne.s32 v13, $0xE;
	vm13 =	vgt.f32 v17, v1  }
0x106: {  	s31 =	sshll.u32 s14, $0x5;
	v2 =	vsel vm10, $0xA, v2;
	vm4 =	vmand vm12, vm13  }
0x107: {  	s14 =	sand.u32 $0xFFFFFF00, s31;
	v2 =	vsel vm1, $0xB, v2;
	v1 =	vsel vm4, v17, v1  }
0x108: {  	s14 =	sor.u32 s15, s14;
	vm14 =	vne.s32 v13, $0xF;
	v2 =	vsel vm2, $0xC, v2;
	vm15 =	vgt.f32 v18, v1  }
0x109: {  	[tilespmem:s14+$0x2400] =	vst v13;
	v3 =	vsel vm0, v18, v6;
	v2 =	vsel vm3, $0xD, v2;
	vm0 =	vmand vm14, vm15  }
0x10a: {  	[tilespmem:s14+$0x2000] =	vst v3;
	v2 =	vsel vm4, $0xE, v2;
	v1 =	vsel vm0, v18, v1  }
0x10b: {  	v2 =	vsel vm0, $0xF, v2;
	[tilespmem:s14+$0x2080] =	vst v1  }
0x10c: {  	[tilespmem:s14+$0x2480] =	vst v2  }
0x10d: {  	[hbm4b:s4+s2] =	stream.linear.scatter [tilespmem:s10], [sflag:$0x2], $0x400, $0x38;
	[tilespmem:$0x2800] =	vst v63  }
0x10e: {  	s13 =	sadd.s32 $0x1, s13;
	_ =	swait.ge [sflag:s11], $0x400  }
0x10f: {  	p0 =	sne.s32 s13, s6;
	[sflag:s11] =	ssyncset.done $0x0  }
.Ltmp1:
0x110: {  	[sflag:s11] =	ssyncadd.s32 $0xFFFFFC00;
	(pc) =	sbr.rel @p0 .LBB2_1-.Ltmp1, $4  }
0x111: {  	[hbm4b:s5+s2] =	stream.linear.scatter [tilespmem:s12], [sflag:$0x2], $0x400, $0x38;
	[tilespmem:$0x2800] =	vst v63  }
0x112: {  	_ =	swait.ge [sflag:s11], $0x400  }
0x113: {  	[sflag:s11] =	ssyncset.done $0x0  }
0x114: {  	[sflag:s11] =	ssyncadd.s32 $0xFFFFFC00  }
0x115: {  	_ =	sfence.sel $0x180000  }
0x116: {  	[bflag:$0x0] =	sbarrier.arrive $0xFFFF  }
0x117: {  	p0 =	sne.s32 s1, $0x0;
	_ =	strace $0x90000047  }
0x118: {  	s0 =	sadd.s32 @!p0 $0x100000, s0;
	[bflag:$0x2] =	sbarrier.arrive $0xFFFF  }
0x119: {  	[sflag:s0] =	ssyncadd.tile.s32 @!p0 $0x1;
	_ =	shalt  }
.Lfunc_end2:
_tile_overlayer_lowered:
.L_overlay_start_2:
0x11a: {  	(tag) =	ssettag $0x2  }
0x11b: {  	s0 =	rddreg [dreg:$0x0];
	s2 =	stileid.u32  }
0x11c: {  	s1 =	rddreg [dreg:$0x1];
	p0 =	sne.s32 s2, $0x0  }
0x11d: {  	s3 =	rddreg [dreg:$0x2];
	[bflag:$0x3] =	sbarrier.arrive $0xFFFF;
	s2 =	simm.s32 @!p0 $0x1C02  }
0x11e: {  	[timem:s3], [sflag:s2] =	dma.local @!p0 [hbm:s0], s1  }
0x11f: {  	s0 =	simm.s32 @!p0 $0x2  }
0x120: {  	_ =	swait.ge @!p0 [sflag:s0], s1  }
0x121: {  	s1 =	ssub.s32 @!p0 $0x0, s1;
	[sflag:s0] =	ssyncset.done @!p0 $0x0  }
0x122: {  	[sflag:s0] =	ssyncadd.s32 @!p0 s1  }
0x123: {  	[bflag:$0x3] =	sbarrier.arrive $0xFFFF  }
0x124: {  	_ =	shalt  }

</sc_bundles>
